<compile_context>
chip_gen: v7x
topology: tpu7x:2x2x1
jax: 0.10.2.dev20260603
libtpu: 0.0.44.dev20260713+nightly
codegen_flags: <defaults>
</compile_context>

<pallas_src>
import functools

import jax
import jax.numpy as jnp
from jax import lax
from jax.experimental import pallas as pl
from jax.experimental.pallas import tpu as pltpu
from jax.experimental.pallas import tpu_sc as plsc

NC = 2
NS = 16
NW = NC * NS
BLK = 128


def _sc_count(ei, n_pad, epw, rem):
    n_edges = ei.shape[1]
    mesh = plsc.VectorSubcoreMesh(core_axis_name="c", subcore_axis_name="s")

    @functools.partial(
        pl.kernel,
        out_type=jax.ShapeDtypeStruct((NW, n_pad), jnp.float32),
        mesh=mesh,
        compiler_params=pltpu.CompilerParams(needs_layout_passes=False),
        scratch_types=[
            pltpu.VMEM((2, epw), jnp.int32),
            pltpu.VMEM((2, BLK), jnp.int32),
            pltpu.VMEM((n_pad,), jnp.float32),
            pltpu.SemaphoreType.DMA,
        ],
    )
    def k(ei_hbm, out_hbm, ed_v, ex_v, cnt_v, sem):
        wid = lax.axis_index("c") * NS + lax.axis_index("s")
        cp = pltpu.async_copy(ei_hbm.at[:, pl.ds(wid * epw, epw)], ed_v, sem)

        @plsc.parallel_loop(0, n_pad, 16, unroll=8)
        def zero_body(j):
            cnt_v[pl.ds(j, 16)] = jnp.zeros((16,), jnp.float32)

        cp.wait()
        ones = jnp.ones((16,), jnp.float32)

        @plsc.parallel_loop(0, epw, 16, unroll=8)
        def body(i):
            d = ed_v[1, pl.ds(i, 16)]
            plsc.addupdate_scatter(cnt_v, [d], ones)

        if rem:
            @pl.when(wid < rem)
            def _extra():
                base = n_edges - rem * BLK
                pltpu.sync_copy(ei_hbm.at[:, pl.ds(base + wid * BLK, BLK)],
                                ex_v)
                for j in range(BLK // 16):
                    d = ex_v[1, pl.ds(j * 16, 16)]
                    plsc.addupdate_scatter(cnt_v, [d], ones)

        pltpu.sync_copy(cnt_v, out_hbm.at[wid])

    return k(ei)


def _tc_z(x, w1t, n_pad):
    n = x.shape[0]
    h = w1t.shape[0]

    def body(x_ref, w1t_ref, z0_ref, z1_ref):
        zr = lax.dot_general(w1t_ref[...], x_ref[...],
                             (((1,), (1,)), ((), ())),
                             preferred_element_type=jnp.float32)
        for ref in (z0_ref, z1_ref):
            ref[...] = jnp.zeros((n_pad,), jnp.float32)
        z0_ref[pl.ds(0, n)] = zr[0]
        z1_ref[pl.ds(0, n)] = zr[1]

    assert h == 2
    return pl.pallas_call(
        body,
        out_shape=(
            jax.ShapeDtypeStruct((n_pad,), jnp.float32),
            jax.ShapeDtypeStruct((n_pad,), jnp.float32),
        ),
    )(x, w1t)


def _tc_dinv(cnt_parts):
    n_pad = cnt_parts.shape[1]

    def body(cnt_ref, dinv_ref):
        deg = jnp.sum(cnt_ref[...], axis=0) + 1.0
        dinv_ref[...] = lax.rsqrt(deg)

    return pl.pallas_call(
        body,
        out_shape=jax.ShapeDtypeStruct((n_pad,), jnp.float32),
    )(cnt_parts)


def _sc_main(ei, z0, z1, dinv, n_pad, epw, rem):
    n_edges = ei.shape[1]
    mesh = plsc.VectorSubcoreMesh(core_axis_name="c", subcore_axis_name="s")
    npw = n_pad // NW

    @functools.partial(
        pl.kernel,
        out_type=jax.ShapeDtypeStruct((3, NW, n_pad), jnp.float32),
        mesh=mesh,
        compiler_params=pltpu.CompilerParams(needs_layout_passes=False),
        scratch_types=[
            pltpu.VMEM((2, epw), jnp.int32),
            pltpu.VMEM((2, BLK), jnp.int32),
            pltpu.VMEM((n_pad,), jnp.float32),
            pltpu.VMEM((n_pad,), jnp.float32),
            pltpu.VMEM((n_pad,), jnp.float32),
            pltpu.VMEM((n_pad,), jnp.float32),
            pltpu.VMEM((n_pad,), jnp.float32),
            pltpu.VMEM((n_pad,), jnp.float32),
            pltpu.SemaphoreType.DMA,
            pltpu.SemaphoreType.DMA,
        ],
    )
    def k(ei_hbm, z0_hbm, z1_hbm, dinv_hbm, out_hbm,
          ed_v, ex_v, z0_v, z1_v, dinv_v, a0_v, a1_v, s_v, sem_e, sem_t):
        wid = lax.axis_index("c") * NS + lax.axis_index("s")
        cp_e = pltpu.async_copy(ei_hbm.at[:, pl.ds(wid * epw, epw)], ed_v,
                                sem_e)
        cp_z0 = pltpu.async_copy(z0_hbm, z0_v, sem_t)
        cp_z1 = pltpu.async_copy(z1_hbm, z1_v, sem_t)
        cp_d = pltpu.async_copy(dinv_hbm, dinv_v, sem_t)

        @plsc.parallel_loop(0, n_pad, 16, unroll=8)
        def zero_body(j):
            zz = jnp.zeros((16,), jnp.float32)
            a0_v[pl.ds(j, 16)] = zz
            a1_v[pl.ds(j, 16)] = zz
            s_v[pl.ds(j, 16)] = zz

        cp_e.wait()
        cp_z0.wait()
        cp_z1.wait()
        cp_d.wait()

        def edge_chunk(ref, off):
            sidx = ref[0, pl.ds(off, 16)]
            didx = ref[1, pl.ds(off, 16)]
            dsv = plsc.load_gather(dinv_v, [sidx])
            ddv = plsc.load_gather(dinv_v, [didx])
            g0 = plsc.load_gather(z0_v, [sidx])
            g1 = plsc.load_gather(z1_v, [sidx])
            plsc.addupdate_scatter(a0_v, [didx], g0 * dsv)
            plsc.addupdate_scatter(a1_v, [didx], g1 * dsv)
            plsc.addupdate_scatter(s_v, [sidx], ddv)

        @plsc.parallel_loop(0, epw, 16, unroll=16)
        def body(off):
            edge_chunk(ed_v, off)

        if rem:
            @pl.when(wid < rem)
            def _extra():
                base = n_edges - rem * BLK
                pltpu.sync_copy(ei_hbm.at[:, pl.ds(base + wid * BLK, BLK)],
                                ex_v)
                for j in range(BLK // 16):
                    edge_chunk(ex_v, j * 16)

        base = wid * npw

        @plsc.parallel_loop(base, base + npw, 16, unroll=4)
        def self_body(off):
            dv = dinv_v[pl.ds(off, 16)]
            g0 = z0_v[pl.ds(off, 16)]
            g1 = z1_v[pl.ds(off, 16)]
            a0_v[pl.ds(off, 16)] += g0 * dv
            a1_v[pl.ds(off, 16)] += g1 * dv
            s_v[pl.ds(off, 16)] += dv

        pltpu.sync_copy(a0_v, out_hbm.at[0, wid])
        pltpu.sync_copy(a1_v, out_hbm.at[1, wid])
        pltpu.sync_copy(s_v, out_hbm.at[2, wid])

    return k(ei, z0, z1, dinv)


def _tc_final(parts, dinv, b1, W2, b2, Wout, bout_row, n_nodes):
    n_pad = parts.shape[2]
    n_out = Wout.shape[1]

    def body(parts_ref, dinv_ref, b1_ref, w2_ref, b2_ref, wout_ref, bout_ref,
             out_ref):
        a0 = jnp.sum(parts_ref[0], axis=0)
        a1 = jnp.sum(parts_ref[1], axis=0)
        s = jnp.sum(parts_ref[2], axis=0)
        dinv = dinv_ref[...]
        h10 = dinv * a0 + b1_ref[0]
        h11 = dinv * a1 + b1_ref[1]
        w = dinv * s
        mask = lax.broadcasted_iota(jnp.int32, (n_pad,), 0) < n_nodes
        t0 = jnp.sum(jnp.where(mask, h10 * w, 0.0))
        t1 = jnp.sum(jnp.where(mask, h11 * w, 0.0))
        inv_n = 1.0 / n_nodes
        p0 = (t0 * w2_ref[0, 0] + t1 * w2_ref[1, 0]) * inv_n + b2_ref[0]
        p1 = (t0 * w2_ref[0, 1] + t1 * w2_ref[1, 1]) * inv_n + b2_ref[1]
        out_ref[...] = (p0 * wout_ref[0:1, :] + p1 * wout_ref[1:2, :]
                        + bout_ref[...])

    smem = pl.BlockSpec(memory_space=pltpu.SMEM)
    return pl.pallas_call(
        body,
        in_specs=[pl.BlockSpec(), pl.BlockSpec(), smem, smem, smem,
                  pl.BlockSpec(), pl.BlockSpec()],
        out_shape=jax.ShapeDtypeStruct((1, n_out), jnp.float32),
    )(parts, dinv, b1, W2, b2, Wout, bout_row)


def kernel(x, edge_index, W1, b1, W2, b2, Wout, bout):
    n_nodes, d_feat = x.shape
    n_edges = edge_index.shape[1]

    grain = NW * 16
    n_pad = ((n_nodes + grain - 1) // grain) * grain
    assert n_edges % BLK == 0, "edge count must be a multiple of 128"
    nblk = n_edges // BLK
    epw = (nblk // NW) * BLK
    rem = nblk - (nblk // NW) * NW

    ei = edge_index
    if ei.dtype != jnp.int32:
        ei = ei.astype(jnp.int32)

    cnt = _sc_count(ei, n_pad, epw, rem)
    z0, z1 = _tc_z(x, W1.T, n_pad)
    dinv = _tc_dinv(cnt)
    parts = _sc_main(ei, z0, z1, dinv, n_pad, epw, rem)
    logits = _tc_final(parts, dinv, b1, W2, b2, Wout,
                       bout.reshape(1, -1), n_nodes)
    return logits

# --- scband reference (transcript-rebuilt; emitter-appended) ---
"""Pipeline reference for scband-gnnscout-policy-38190849196673 (READ-ONLY COPY).

The authoritative reference and input builder live on the scoring server;
editing this copy changes nothing except your own understanding.
"""

import jax, jax.numpy as jnp
import numpy as np

N_NODES = 10000
N_EDGES = 320000
D_FEAT = 128
HIDDEN = 2
NUM_OUT = 64


def setup_inputs(seed: int = 0) -> dict:
    key = jax.random.key(seed)
    ks = jax.random.split(key, 8)
    x = jax.random.normal(ks[0], (N_NODES, D_FEAT), dtype=jnp.float32)
    edge_index = jax.random.randint(ks[1], (2, N_EDGES), 0, N_NODES, dtype=jnp.int64)
    # GCNConv layer 1: in=128 -> out=2 (HIDDEN_DIM * N_HEADS with gcn heads=1)
    W1 = jax.random.normal(ks[2], (D_FEAT, HIDDEN), dtype=jnp.float32) / np.sqrt(D_FEAT)
    b1 = jnp.zeros((HIDDEN,), dtype=jnp.float32)
    # GCNConv layer 2: in=2 -> out=2
    W2 = jax.random.normal(ks[3], (HIDDEN, HIDDEN), dtype=jnp.float32) / np.sqrt(HIDDEN)
    b2 = jnp.zeros((HIDDEN,), dtype=jnp.float32)
    # aggregator head: pooled GNN features -> action logits
    Wout = jax.random.normal(ks[4], (HIDDEN, NUM_OUT), dtype=jnp.float32) / np.sqrt(HIDDEN)
    bout = jnp.zeros((NUM_OUT,), dtype=jnp.float32)
    return {"x": x, "edge_index": edge_index, "W1": W1, "b1": b1,
            "W2": W2, "b2": b2, "Wout": Wout, "bout": bout}


def _gcn_layer(h, src, dst, norm, W, b, n_nodes):
    # GCNConv: transform, then symmetric-normalized scatter-add aggregation
    h = h @ W
    msg = h[src] * norm[:, None]
    agg = jax.ops.segment_sum(msg, dst, num_segments=n_nodes)
    return agg + b


def reference(x, edge_index, W1, b1, W2, b2, Wout, bout):
    n_nodes = x.shape[0]
    src = edge_index[0]
    dst = edge_index[1]
    # add self-loops (GCNConv default)
    loop = jnp.arange(n_nodes, dtype=src.dtype)
    src = jnp.concatenate([src, loop])
    dst = jnp.concatenate([dst, loop])
    deg = jax.ops.segment_sum(jnp.ones_like(dst, dtype=x.dtype), dst, num_segments=n_nodes)
    dinv = jnp.where(deg > 0, 1.0 / jnp.sqrt(deg), 0.0)
    norm = dinv[src] * dinv[dst]
    h = _gcn_layer(x, src, dst, norm, W1, b1, n_nodes)
    h = _gcn_layer(h, src, dst, norm, W2, b2, n_nodes)
    # global mean pooling aggregator + linear head to action logits
    pooled = jnp.mean(h, axis=0, keepdims=True)
    logits = pooled @ Wout + bout
    return logits

if __name__ == "__main__":
    import jax
    _d = setup_inputs()
    print(jax.jit(kernel)(*tuple(_d.values())))

</pallas_src>

<mosaic_0001>
#map = affine_map<(d0, d1) -> (0, 0)>
module attributes {stable_mosaic.version = 14 : i64} {
  func.func @k(%arg0: i32, %arg1: i32, %arg2: memref<2x320000xi32, #tpu.memory_space<hbm>>, %arg3: memref<32x10240xf32, #tpu.memory_space<hbm>>, %arg4: memref<2x9984xi32, #tpu.memory_space<vmem>>, %arg5: memref<2x128xi32, #tpu.memory_space<vmem>>, %arg6: memref<10240xf32, #tpu.memory_space<vmem>>, %arg7: memref<!tpu.dma_semaphore, #tpu.memory_space<semaphore_mem>>) attributes {dimension_semantics = [#tpu.dimension_semantics<core_parallel>, #tpu.dimension_semantics<subcore_parallel>], iteration_bounds = array<i64: 2, 16>, scalar_prefetch = 0 : i64, scratch_operands = 4 : i64, tpu.core_type = #tpu.core_type<sc_vector_subcore>, window_params = [{transform_indices = #map}, {transform_indices = #map}]} {
    %mul3A = arith.constant 16 : i32
    %mul3A_0 = arith.muli %arg0, %mul3A : i32
    %add3A = arith.addi %mul3A_0, %arg1 : i32
    %mul3A_1 = arith.constant 9984 : i32
    %mul3A_2 = arith.muli %add3A, %mul3A_1 : i32
    %dma_start3A = arith.constant 0 : i32
    %dma_start3A_3 = tpu.memref_slice %arg2[%dma_start3A, %mul3A_2] : memref<2x320000xi32, #tpu.memory_space<hbm>> -> memref<2x9984xi32, #tpu.memory_space<hbm>>
    %dma_start3A_4 = arith.constant 0 : i32
    %dma_start3A_5 = tpu.memref_slice %arg2[%dma_start3A_4, %mul3A_2] : memref<2x320000xi32, #tpu.memory_space<hbm>> -> memref<2x9984xi32, #tpu.memory_space<hbm>>
    tpu.enqueue_dma source(%dma_start3A_5 : memref<2x9984xi32, #tpu.memory_space<hbm>>) target(%arg4 : memref<2x9984xi32, #tpu.memory_space<vmem>>) target_semaphore(%arg7 : memref<!tpu.dma_semaphore, #tpu.memory_space<semaphore_mem>>)
    %parallel_loop3A = arith.constant 0 : i32
    %parallel_loop3A_6 = arith.constant 10240 : i32
    %parallel_loop3A_7 = arith.constant 16 : i32
    scf.for %parallel_loop3A_17 = %parallel_loop3A to %parallel_loop3A_6 step %parallel_loop3A_7  : i32 {
      %parallel_loop3A_18 = arith.constant 0.000000e+00 : f32
      %parallel_loop3A_19 = vector.broadcast %parallel_loop3A_18 : f32 to vector<16xf32>
      %parallel_loop3A_20 = arith.index_cast %parallel_loop3A_17 : i32 to index
      %parallel_loop3A_21 = tpu.vector_load %arg6[%parallel_loop3A_20] {strides = array<i32>} : memref<10240xf32, #tpu.memory_space<vmem>>, vector<16xf32>,
      tpu.vector_store %arg6[%parallel_loop3A_20], %parallel_loop3A_19 {strides = array<i32>} : memref<10240xf32, #tpu.memory_space<vmem>>, vector<16xf32>,
    } {sc.loop_unroll_factor = 8 : i64, sc.parallel_access}
    %dma_wait3A = arith.constant 0 : i32
    %dma_wait3A_8 = tpu.memref_slice %arg2[%dma_wait3A, %mul3A_2] : memref<2x320000xi32, #tpu.memory_space<hbm>> -> memref<2x9984xi32, #tpu.memory_space<hbm>>
    %dma_wait3A_9 = arith.constant 0 : i32
    %dma_wait3A_10 = tpu.memref_slice %arg2[%dma_wait3A_9, %mul3A_2] : memref<2x320000xi32, #tpu.memory_space<hbm>> -> memref<2x9984xi32, #tpu.memory_space<hbm>>
    tpu.wait_dma2 semaphore(%arg7 : memref<!tpu.dma_semaphore, #tpu.memory_space<semaphore_mem>>) src(%dma_wait3A_10 : memref<2x9984xi32, #tpu.memory_space<hbm>>) dst(%arg4 : memref<2x9984xi32, #tpu.memory_space<vmem>>)
    %broadcast_in_dim3A = arith.constant 1.000000e+00 : f32
    %broadcast_in_dim3A_11 = vector.broadcast %broadcast_in_dim3A : f32 to vector<16xf32>
    %parallel_loop3A_12 = arith.constant 0 : i32
    %parallel_loop3A_13 = arith.constant 9984 : i32
    %parallel_loop3A_14 = arith.constant 16 : i32
    scf.for %parallel_loop3A_17 = %parallel_loop3A_12 to %parallel_loop3A_13 step %parallel_loop3A_14  : i32 {
      %parallel_loop3A_18 = arith.constant 1 : i32
      %parallel_loop3A_19 = arith.index_cast %parallel_loop3A_18 : i32 to index
      %parallel_loop3A_20 = arith.index_cast %parallel_loop3A_17 : i32 to index
      %parallel_loop3A_21 = tpu.vector_load %arg4[%parallel_loop3A_19, %parallel_loop3A_20] {strides = array<i32>} : memref<2x9984xi32, #tpu.memory_space<vmem>>, vector<16xi32>,
      tpu.vector_store_idx %arg6[%parallel_loop3A_21], %broadcast_in_dim3A_11 {add = true} : memref<10240xf32, #tpu.memory_space<vmem>>[vector<16xi32>], vector<16xf32>,
    } {sc.loop_unroll_factor = 8 : i64, sc.parallel_access}
    %lt3A = arith.constant 4 : i32
    %lt3A_15 = arith.cmpi slt, %add3A, %lt3A : i32
    %convert_element_type3A = arith.extui %lt3A_15 : i1 to i32
    %cond3A = arith.constant 0 : i32
    %cond3A_16 = arith.cmpi ne, %convert_element_type3A, %cond3A : i32
    scf.if %cond3A_16 {
      %mul3A_17 = arith.constant 128 : i32
      %mul3A_18 = arith.muli %add3A, %mul3A_17 : i32
      %add3A_19 = arith.constant 319488 : i32
      %add3A_20 = arith.addi %add3A_19, %mul3A_18 : i32
      "tpu.region"() ({
        %run_scoped3A = tpu.sem_alloc : memref<!tpu.dma_semaphore, #tpu.memory_space<semaphore_mem>>
        %dma_start3A_52 = arith.constant 0 : i32
        %dma_start3A_53 = tpu.memref_slice %arg2[%dma_start3A_52, %add3A_20] : memref<2x320000xi32, #tpu.memory_space<hbm>> -> memref<2x128xi32, #tpu.memory_space<hbm>>
        %dma_start3A_54 = arith.constant 0 : i32
        %dma_start3A_55 = tpu.memref_slice %arg2[%dma_start3A_54, %add3A_20] : memref<2x320000xi32, #tpu.memory_space<hbm>> -> memref<2x128xi32, #tpu.memory_space<hbm>>
        tpu.enqueue_dma source(%dma_start3A_55 : memref<2x128xi32, #tpu.memory_space<hbm>>) target(%arg5 : memref<2x128xi32, #tpu.memory_space<vmem>>) target_semaphore(%run_scoped3A : memref<!tpu.dma_semaphore, #tpu.memory_space<semaphore_mem>>)
        %dma_wait3A_56 = arith.constant 0 : i32
        %dma_wait3A_57 = tpu.memref_slice %arg2[%dma_wait3A_56, %add3A_20] : memref<2x320000xi32, #tpu.memory_space<hbm>> -> memref<2x128xi32, #tpu.memory_space<hbm>>
        %dma_wait3A_58 = arith.constant 0 : i32
        %dma_wait3A_59 = tpu.memref_slice %arg2[%dma_wait3A_58, %add3A_20] : memref<2x320000xi32, #tpu.memory_space<hbm>> -> memref<2x128xi32, #tpu.memory_space<hbm>>
        tpu.wait_dma2 semaphore(%run_scoped3A : memref<!tpu.dma_semaphore, #tpu.memory_space<semaphore_mem>>) src(%dma_wait3A_59 : memref<2x128xi32, #tpu.memory_space<hbm>>) dst(%arg5 : memref<2x128xi32, #tpu.memory_space<vmem>>)
        tpu.yield
      }) : () -> ()
      %get3A = arith.constant 1 : i32
      %get3A_21 = arith.index_cast %get3A : i32 to index
      %get3A_22 = arith.constant 0 : index
      %get3A_23 = tpu.vector_load %arg5[%get3A_21, %get3A_22] {strides = array<i32>} : memref<2x128xi32, #tpu.memory_space<vmem>>, vector<16xi32>,
      tpu.vector_store_idx %arg6[%get3A_23], %broadcast_in_dim3A_11 {add = true} : memref<10240xf32, #tpu.memory_space<vmem>>[vector<16xi32>], vector<16xf32>,
      %get3A_24 = arith.constant 1 : i32
      %get3A_25 = arith.index_cast %get3A_24 : i32 to index
      %get3A_26 = arith.constant 16 : index
      %get3A_27 = tpu.vector_load %arg5[%get3A_25, %get3A_26] {strides = array<i32>} : memref<2x128xi32, #tpu.memory_space<vmem>>, vector<16xi32>,
      tpu.vector_store_idx %arg6[%get3A_27], %broadcast_in_dim3A_11 {add = true} : memref<10240xf32, #tpu.memory_space<vmem>>[vector<16xi32>], vector<16xf32>,
      %get3A_28 = arith.constant 1 : i32
      %get3A_29 = arith.index_cast %get3A_28 : i32 to index
      %get3A_30 = arith.constant 32 : index
      %get3A_31 = tpu.vector_load %arg5[%get3A_29, %get3A_30] {strides = array<i32>} : memref<2x128xi32, #tpu.memory_space<vmem>>, vector<16xi32>,
      tpu.vector_store_idx %arg6[%get3A_31], %broadcast_in_dim3A_11 {add = true} : memref<10240xf32, #tpu.memory_space<vmem>>[vector<16xi32>], vector<16xf32>,
      %get3A_32 = arith.constant 1 : i32
      %get3A_33 = arith.index_cast %get3A_32 : i32 to index
      %get3A_34 = arith.constant 48 : index
      %get3A_35 = tpu.vector_load %arg5[%get3A_33, %get3A_34] {strides = array<i32>} : memref<2x128xi32, #tpu.memory_space<vmem>>, vector<16xi32>,
      tpu.vector_store_idx %arg6[%get3A_35], %broadcast_in_dim3A_11 {add = true} : memref<10240xf32, #tpu.memory_space<vmem>>[vector<16xi32>], vector<16xf32>,
      %get3A_36 = arith.constant 1 : i32
      %get3A_37 = arith.index_cast %get3A_36 : i32 to index
      %get3A_38 = arith.constant 64 : index
      %get3A_39 = tpu.vector_load %arg5[%get3A_37, %get3A_38] {strides = array<i32>} : memref<2x128xi32, #tpu.memory_space<vmem>>, vector<16xi32>,
      tpu.vector_store_idx %arg6[%get3A_39], %broadcast_in_dim3A_11 {add = true} : memref<10240xf32, #tpu.memory_space<vmem>>[vector<16xi32>], vector<16xf32>,
      %get3A_40 = arith.constant 1 : i32
      %get3A_41 = arith.index_cast %get3A_40 : i32 to index
      %get3A_42 = arith.constant 80 : index
      %get3A_43 = tpu.vector_load %arg5[%get3A_41, %get3A_42] {strides = array<i32>} : memref<2x128xi32, #tpu.memory_space<vmem>>, vector<16xi32>,
      tpu.vector_store_idx %arg6[%get3A_43], %broadcast_in_dim3A_11 {add = true} : memref<10240xf32, #tpu.memory_space<vmem>>[vector<16xi32>], vector<16xf32>,
      %get3A_44 = arith.constant 1 : i32
      %get3A_45 = arith.index_cast %get3A_44 : i32 to index
      %get3A_46 = arith.constant 96 : index
      %get3A_47 = tpu.vector_load %arg5[%get3A_45, %get3A_46] {strides = array<i32>} : memref<2x128xi32, #tpu.memory_space<vmem>>, vector<16xi32>,
      tpu.vector_store_idx %arg6[%get3A_47], %broadcast_in_dim3A_11 {add = true} : memref<10240xf32, #tpu.memory_space<vmem>>[vector<16xi32>], vector<16xf32>,
      %get3A_48 = arith.constant 1 : i32
      %get3A_49 = arith.index_cast %get3A_48 : i32 to index
      %get3A_50 = arith.constant 112 : index
      %get3A_51 = tpu.vector_load %arg5[%get3A_49, %get3A_50] {strides = array<i32>} : memref<2x128xi32, #tpu.memory_space<vmem>>, vector<16xi32>,
      tpu.vector_store_idx %arg6[%get3A_51], %broadcast_in_dim3A_11 {add = true} : memref<10240xf32, #tpu.memory_space<vmem>>[vector<16xi32>], vector<16xf32>,
    } else {
    }
    "tpu.region"() ({
      %run_scoped3A = tpu.sem_alloc : memref<!tpu.dma_semaphore, #tpu.memory_space<semaphore_mem>>
      %dma_start3A_17 = arith.constant 0 : i32
      %dma_start3A_18 = tpu.memref_slice %arg3[%add3A, %dma_start3A_17] : memref<32x10240xf32, #tpu.memory_space<hbm>> -> memref<1x10240xf32, #tpu.memory_space<hbm>>
      %dma_start3A_19 = tpu.memref_squeeze %dma_start3A_18 : memref<1x10240xf32, #tpu.memory_space<hbm>> -> memref<10240xf32, #tpu.memory_space<hbm>>
      %dma_start3A_20 = arith.constant 0 : i32
      %dma_start3A_21 = tpu.memref_slice %arg3[%add3A, %dma_start3A_20] : memref<32x10240xf32, #tpu.memory_space<hbm>> -> memref<1x10240xf32, #tpu.memory_space<hbm>>
      %dma_start3A_22 = tpu.memref_squeeze %dma_start3A_21 : memref<1x10240xf32, #tpu.memory_space<hbm>> -> memref<10240xf32, #tpu.memory_space<hbm>>
      tpu.enqueue_dma source(%arg6 : memref<10240xf32, #tpu.memory_space<vmem>>) target(%dma_start3A_22 : memref<10240xf32, #tpu.memory_space<hbm>>) target_semaphore(%run_scoped3A : memref<!tpu.dma_semaphore, #tpu.memory_space<semaphore_mem>>)
      %dma_wait3A_23 = arith.constant 0 : i32
      %dma_wait3A_24 = tpu.memref_slice %arg3[%add3A, %dma_wait3A_23] : memref<32x10240xf32, #tpu.memory_space<hbm>> -> memref<1x10240xf32, #tpu.memory_space<hbm>>
      %dma_wait3A_25 = tpu.memref_squeeze %dma_wait3A_24 : memref<1x10240xf32, #tpu.memory_space<hbm>> -> memref<10240xf32, #tpu.memory_space<hbm>>
      %dma_wait3A_26 = arith.constant 0 : i32
      %dma_wait3A_27 = tpu.memref_slice %arg3[%add3A, %dma_wait3A_26] : memref<32x10240xf32, #tpu.memory_space<hbm>> -> memref<1x10240xf32, #tpu.memory_space<hbm>>
      %dma_wait3A_28 = tpu.memref_squeeze %dma_wait3A_27 : memref<1x10240xf32, #tpu.memory_space<hbm>> -> memref<10240xf32, #tpu.memory_space<hbm>>
      tpu.wait_dma2 semaphore(%run_scoped3A : memref<!tpu.dma_semaphore, #tpu.memory_space<semaphore_mem>>) src(%arg6 : memref<10240xf32, #tpu.memory_space<vmem>>) dst(%dma_wait3A_28 : memref<10240xf32, #tpu.memory_space<hbm>>)
      tpu.yield
    }) : () -> ()
    return
  }
}

#map = affine_map<(d0, d1) -> (0, 0)>
#map1 = affine_map<(d0, d1) -> (0)>
#map2 = affine_map<(d0, d1) -> (0, 0, 0)>
module attributes {stable_mosaic.version = 14 : i64} {
  func.func @k(%arg0: i32, %arg1: i32, %arg2: memref<2x320000xi32, #tpu.memory_space<hbm>>, %arg3: memref<10240xf32, #tpu.memory_space<hbm>>, %arg4: memref<10240xf32, #tpu.memory_space<hbm>>, %arg5: memref<10240xf32, #tpu.memory_space<hbm>>, %arg6: memref<3x32x10240xf32, #tpu.memory_space<hbm>>, %arg7: memref<2x9984xi32, #tpu.memory_space<vmem>>, %arg8: memref<2x128xi32, #tpu.memory_space<vmem>>, %arg9: memref<10240xf32, #tpu.memory_space<vmem>>, %arg10: memref<10240xf32, #tpu.memory_space<vmem>>, %arg11: memref<10240xf32, #tpu.memory_space<vmem>>, %arg12: memref<10240xf32, #tpu.memory_space<vmem>>, %arg13: memref<10240xf32, #tpu.memory_space<vmem>>, %arg14: memref<10240xf32, #tpu.memory_space<vmem>>, %arg15: memref<!tpu.dma_semaphore, #tpu.memory_space<semaphore_mem>>, %arg16: memref<!tpu.dma_semaphore, #tpu.memory_space<semaphore_mem>>) attributes {dimension_semantics = [#tpu.dimension_semantics<core_parallel>, #tpu.dimension_semantics<subcore_parallel>], iteration_bounds = array<i64: 2, 16>, scalar_prefetch = 0 : i64, scratch_operands = 10 : i64, tpu.core_type = #tpu.core_type<sc_vector_subcore>, window_params = [{transform_indices = #map}, {transform_indices = #map1}, {transform_indices = #map1}, {transform_indices = #map1}, {transform_indices = #map2}]} {
    %mul3A = arith.constant 16 : i32
    %mul3A_0 = arith.muli %arg0, %mul3A : i32
    %add3A = arith.addi %mul3A_0, %arg1 : i32
    %mul3A_1 = arith.constant 9984 : i32
    %mul3A_2 = arith.muli %add3A, %mul3A_1 : i32
    %dma_start3A = arith.constant 0 : i32
    %dma_start3A_3 = tpu.memref_slice %arg2[%dma_start3A, %mul3A_2] : memref<2x320000xi32, #tpu.memory_space<hbm>> -> memref<2x9984xi32, #tpu.memory_space<hbm>>
    %dma_start3A_4 = arith.constant 0 : i32
    %dma_start3A_5 = tpu.memref_slice %arg2[%dma_start3A_4, %mul3A_2] : memref<2x320000xi32, #tpu.memory_space<hbm>> -> memref<2x9984xi32, #tpu.memory_space<hbm>>
    tpu.enqueue_dma source(%dma_start3A_5 : memref<2x9984xi32, #tpu.memory_space<hbm>>) target(%arg7 : memref<2x9984xi32, #tpu.memory_space<vmem>>) target_semaphore(%arg15 : memref<!tpu.dma_semaphore, #tpu.memory_space<semaphore_mem>>)
    tpu.enqueue_dma source(%arg3 : memref<10240xf32, #tpu.memory_space<hbm>>) target(%arg9 : memref<10240xf32, #tpu.memory_space<vmem>>) target_semaphore(%arg16 : memref<!tpu.dma_semaphore, #tpu.memory_space<semaphore_mem>>)
    tpu.enqueue_dma source(%arg4 : memref<10240xf32, #tpu.memory_space<hbm>>) target(%arg10 : memref<10240xf32, #tpu.memory_space<vmem>>) target_semaphore(%arg16 : memref<!tpu.dma_semaphore, #tpu.memory_space<semaphore_mem>>)
    tpu.enqueue_dma source(%arg5 : memref<10240xf32, #tpu.memory_space<hbm>>) target(%arg11 : memref<10240xf32, #tpu.memory_space<vmem>>) target_semaphore(%arg16 : memref<!tpu.dma_semaphore, #tpu.memory_space<semaphore_mem>>)
    %parallel_loop3A = arith.constant 0 : i32
    %parallel_loop3A_6 = arith.constant 10240 : i32
    %parallel_loop3A_7 = arith.constant 16 : i32
    scf.for %parallel_loop3A_23 = %parallel_loop3A to %parallel_loop3A_6 step %parallel_loop3A_7  : i32 {
      %parallel_loop3A_24 = arith.constant 0.000000e+00 : f32
      %parallel_loop3A_25 = vector.broadcast %parallel_loop3A_24 : f32 to vector<16xf32>
      %parallel_loop3A_26 = arith.index_cast %parallel_loop3A_23 : i32 to index
      %parallel_loop3A_27 = tpu.vector_load %arg12[%parallel_loop3A_26] {strides = array<i32>} : memref<10240xf32, #tpu.memory_space<vmem>>, vector<16xf32>,
      tpu.vector_store %arg12[%parallel_loop3A_26], %parallel_loop3A_25 {strides = array<i32>} : memref<10240xf32, #tpu.memory_space<vmem>>, vector<16xf32>,
      %parallel_loop3A_28 = arith.index_cast %parallel_loop3A_23 : i32 to index
      %parallel_loop3A_29 = tpu.vector_load %arg13[%parallel_loop3A_28] {strides = array<i32>} : memref<10240xf32, #tpu.memory_space<vmem>>, vector<16xf32>,
      tpu.vector_store %arg13[%parallel_loop3A_28], %parallel_loop3A_25 {strides = array<i32>} : memref<10240xf32, #tpu.memory_space<vmem>>, vector<16xf32>,
      %parallel_loop3A_30 = arith.index_cast %parallel_loop3A_23 : i32 to index
      %parallel_loop3A_31 = tpu.vector_load %arg14[%parallel_loop3A_30] {strides = array<i32>} : memref<10240xf32, #tpu.memory_space<vmem>>, vector<16xf32>,
      tpu.vector_store %arg14[%parallel_loop3A_30], %parallel_loop3A_25 {strides = array<i32>} : memref<10240xf32, #tpu.memory_space<vmem>>, vector<16xf32>,
    } {sc.loop_unroll_factor = 8 : i64, sc.parallel_access}
    %dma_wait3A = arith.constant 0 : i32
    %dma_wait3A_8 = tpu.memref_slice %arg2[%dma_wait3A, %mul3A_2] : memref<2x320000xi32, #tpu.memory_space<hbm>> -> memref<2x9984xi32, #tpu.memory_space<hbm>>
    %dma_wait3A_9 = arith.constant 0 : i32
    %dma_wait3A_10 = tpu.memref_slice %arg2[%dma_wait3A_9, %mul3A_2] : memref<2x320000xi32, #tpu.memory_space<hbm>> -> memref<2x9984xi32, #tpu.memory_space<hbm>>
    tpu.wait_dma2 semaphore(%arg15 : memref<!tpu.dma_semaphore, #tpu.memory_space<semaphore_mem>>) src(%dma_wait3A_10 : memref<2x9984xi32, #tpu.memory_space<hbm>>) dst(%arg7 : memref<2x9984xi32, #tpu.memory_space<vmem>>)
    tpu.wait_dma2 semaphore(%arg16 : memref<!tpu.dma_semaphore, #tpu.memory_space<semaphore_mem>>) src(%arg3 : memref<10240xf32, #tpu.memory_space<hbm>>) dst(%arg9 : memref<10240xf32, #tpu.memory_space<vmem>>)
    tpu.wait_dma2 semaphore(%arg16 : memref<!tpu.dma_semaphore, #tpu.memory_space<semaphore_mem>>) src(%arg4 : memref<10240xf32, #tpu.memory_space<hbm>>) dst(%arg10 : memref<10240xf32, #tpu.memory_space<vmem>>)
    tpu.wait_dma2 semaphore(%arg16 : memref<!tpu.dma_semaphore, #tpu.memory_space<semaphore_mem>>) src(%arg5 : memref<10240xf32, #tpu.memory_space<hbm>>) dst(%arg11 : memref<10240xf32, #tpu.memory_space<vmem>>)
    %parallel_loop3A_11 = arith.constant 0 : i32
    %parallel_loop3A_12 = arith.constant 9984 : i32
    %parallel_loop3A_13 = arith.constant 16 : i32
    scf.for %parallel_loop3A_23 = %parallel_loop3A_11 to %parallel_loop3A_12 step %parallel_loop3A_13  : i32 {
      %parallel_loop3A_24 = arith.constant 0 : i32
      %parallel_loop3A_25 = arith.index_cast %parallel_loop3A_24 : i32 to index
      %parallel_loop3A_26 = arith.index_cast %parallel_loop3A_23 : i32 to index
      %parallel_loop3A_27 = tpu.vector_load %arg7[%parallel_loop3A_25, %parallel_loop3A_26] {strides = array<i32>} : memref<2x9984xi32, #tpu.memory_space<vmem>>, vector<16xi32>,
      %parallel_loop3A_28 = arith.constant 1 : i32
      %parallel_loop3A_29 = arith.index_cast %parallel_loop3A_28 : i32 to index
      %parallel_loop3A_30 = arith.index_cast %parallel_loop3A_23 : i32 to index
      %parallel_loop3A_31 = tpu.vector_load %arg7[%parallel_loop3A_29, %parallel_loop3A_30] {strides = array<i32>} : memref<2x9984xi32, #tpu.memory_space<vmem>>, vector<16xi32>,
      %parallel_loop3A_32 = tpu.vector_load_idx %arg11[%parallel_loop3A_27] : memref<10240xf32, #tpu.memory_space<vmem>>[vector<16xi32>], vector<16xf32>,
      %parallel_loop3A_33 = tpu.vector_load_idx %arg11[%parallel_loop3A_31] : memref<10240xf32, #tpu.memory_space<vmem>>[vector<16xi32>], vector<16xf32>,
      %parallel_loop3A_34 = tpu.vector_load_idx %arg9[%parallel_loop3A_27] : memref<10240xf32, #tpu.memory_space<vmem>>[vector<16xi32>], vector<16xf32>,
      %parallel_loop3A_35 = tpu.vector_load_idx %arg10[%parallel_loop3A_27] : memref<10240xf32, #tpu.memory_space<vmem>>[vector<16xi32>], vector<16xf32>,
      %parallel_loop3A_36 = arith.mulf %parallel_loop3A_34, %parallel_loop3A_32 : vector<16xf32>
      tpu.vector_store_idx %arg12[%parallel_loop3A_31], %parallel_loop3A_36 {add = true} : memref<10240xf32, #tpu.memory_space<vmem>>[vector<16xi32>], vector<16xf32>,
      %parallel_loop3A_37 = arith.mulf %parallel_loop3A_35, %parallel_loop3A_32 : vector<16xf32>
      tpu.vector_store_idx %arg13[%parallel_loop3A_31], %parallel_loop3A_37 {add = true} : memref<10240xf32, #tpu.memory_space<vmem>>[vector<16xi32>], vector<16xf32>,
      tpu.vector_store_idx %arg14[%parallel_loop3A_27], %parallel_loop3A_33 {add = true} : memref<10240xf32, #tpu.memory_space<vmem>>[vector<16xi32>], vector<16xf32>,
    } {sc.loop_unroll_factor = 16 : i64, sc.parallel_access}
    %lt3A = arith.constant 4 : i32
    %lt3A_14 = arith.cmpi slt, %add3A, %lt3A : i32
    %convert_element_type3A = arith.extui %lt3A_14 : i1 to i32
    %cond3A = arith.constant 0 : i32
    %cond3A_15 = arith.cmpi ne, %convert_element_type3A, %cond3A : i32
    scf.if %cond3A_15 {
      %mul3A_23 = arith.constant 128 : i32
      %mul3A_24 = arith.muli %add3A, %mul3A_23 : i32
      %add3A_25 = arith.constant 319488 : i32
      %add3A_26 = arith.addi %add3A_25, %mul3A_24 : i32
      "tpu.region"() ({
        %run_scoped3A_137 = tpu.sem_alloc : memref<!tpu.dma_semaphore, #tpu.memory_space<semaphore_mem>>
        %dma_start3A_138 = arith.constant 0 : i32
        %dma_start3A_139 = tpu.memref_slice %arg2[%dma_start3A_138, %add3A_26] : memref<2x320000xi32, #tpu.memory_space<hbm>> -> memref<2x128xi32, #tpu.memory_space<hbm>>
        %dma_start3A_140 = arith.constant 0 : i32
        %dma_start3A_141 = tpu.memref_slice %arg2[%dma_start3A_140, %add3A_26] : memref<2x320000xi32, #tpu.memory_space<hbm>> -> memref<2x128xi32, #tpu.memory_space<hbm>>
        tpu.enqueue_dma source(%dma_start3A_141 : memref<2x128xi32, #tpu.memory_space<hbm>>) target(%arg8 : memref<2x128xi32, #tpu.memory_space<vmem>>) target_semaphore(%run_scoped3A_137 : memref<!tpu.dma_semaphore, #tpu.memory_space<semaphore_mem>>)
        %dma_wait3A_142 = arith.constant 0 : i32
        %dma_wait3A_143 = tpu.memref_slice %arg2[%dma_wait3A_142, %add3A_26] : memref<2x320000xi32, #tpu.memory_space<hbm>> -> memref<2x128xi32, #tpu.memory_space<hbm>>
        %dma_wait3A_144 = arith.constant 0 : i32
        %dma_wait3A_145 = tpu.memref_slice %arg2[%dma_wait3A_144, %add3A_26] : memref<2x320000xi32, #tpu.memory_space<hbm>> -> memref<2x128xi32, #tpu.memory_space<hbm>>
        tpu.wait_dma2 semaphore(%run_scoped3A_137 : memref<!tpu.dma_semaphore, #tpu.memory_space<semaphore_mem>>) src(%dma_wait3A_145 : memref<2x128xi32, #tpu.memory_space<hbm>>) dst(%arg8 : memref<2x128xi32, #tpu.memory_space<vmem>>)
        tpu.yield
      }) : () -> ()
      %get3A = arith.constant 0 : i32
      %get3A_27 = arith.index_cast %get3A : i32 to index
      %get3A_28 = arith.constant 0 : index
      %get3A_29 = tpu.vector_load %arg8[%get3A_27, %get3A_28] {strides = array<i32>} : memref<2x128xi32, #tpu.memory_space<vmem>>, vector<16xi32>,
      %get3A_30 = arith.constant 1 : i32
      %get3A_31 = arith.index_cast %get3A_30 : i32 to index
      %get3A_32 = arith.constant 0 : index
      %get3A_33 = tpu.vector_load %arg8[%get3A_31, %get3A_32] {strides = array<i32>} : memref<2x128xi32, #tpu.memory_space<vmem>>, vector<16xi32>,
      %gather3A = tpu.vector_load_idx %arg11[%get3A_29] : memref<10240xf32, #tpu.memory_space<vmem>>[vector<16xi32>], vector<16xf32>,
      %gather3A_34 = tpu.vector_load_idx %arg11[%get3A_33] : memref<10240xf32, #tpu.memory_space<vmem>>[vector<16xi32>], vector<16xf32>,
      %gather3A_35 = tpu.vector_load_idx %arg9[%get3A_29] : memref<10240xf32, #tpu.memory_space<vmem>>[vector<16xi32>], vector<16xf32>,
      %gather3A_36 = tpu.vector_load_idx %arg10[%get3A_29] : memref<10240xf32, #tpu.memory_space<vmem>>[vector<16xi32>], vector<16xf32>,
      %mul3A_37 = arith.mulf %gather3A_35, %gather3A : vector<16xf32>
      tpu.vector_store_idx %arg12[%get3A_33], %mul3A_37 {add = true} : memref<10240xf32, #tpu.memory_space<vmem>>[vector<16xi32>], vector<16xf32>,
      %mul3A_38 = arith.mulf %gather3A_36, %gather3A : vector<16xf32>
      tpu.vector_store_idx %arg13[%get3A_33], %mul3A_38 {add = true} : memref<10240xf32, #tpu.memory_space<vmem>>[vector<16xi32>], vector<16xf32>,
      tpu.vector_store_idx %arg14[%get3A_29], %gather3A_34 {add = true} : memref<10240xf32, #tpu.memory_space<vmem>>[vector<16xi32>], vector<16xf32>,
      %get3A_39 = arith.constant 0 : i32
      %get3A_40 = arith.index_cast %get3A_39 : i32 to index
      %get3A_41 = arith.constant 16 : index
      %get3A_42 = tpu.vector_load %arg8[%get3A_40, %get3A_41] {strides = array<i32>} : memref<2x128xi32, #tpu.memory_space<vmem>>, vector<16xi32>,
      %get3A_43 = arith.constant 1 : i32
      %get3A_44 = arith.index_cast %get3A_43 : i32 to index
      %get3A_45 = arith.constant 16 : index
      %get3A_46 = tpu.vector_load %arg8[%get3A_44, %get3A_45] {strides = array<i32>} : memref<2x128xi32, #tpu.memory_space<vmem>>, vector<16xi32>,
      %gather3A_47 = tpu.vector_load_idx %arg11[%get3A_42] : memref<10240xf32, #tpu.memory_space<vmem>>[vector<16xi32>], vector<16xf32>,
      %gather3A_48 = tpu.vector_load_idx %arg11[%get3A_46] : memref<10240xf32, #tpu.memory_space<vmem>>[vector<16xi32>], vector<16xf32>,
      %gather3A_49 = tpu.vector_load_idx %arg9[%get3A_42] : memref<10240xf32, #tpu.memory_space<vmem>>[vector<16xi32>], vector<16xf32>,
      %gather3A_50 = tpu.vector_load_idx %arg10[%get3A_42] : memref<10240xf32, #tpu.memory_space<vmem>>[vector<16xi32>], vector<16xf32>,
      %mul3A_51 = arith.mulf %gather3A_49, %gather3A_47 : vector<16xf32>
      tpu.vector_store_idx %arg12[%get3A_46], %mul3A_51 {add = true} : memref<10240xf32, #tpu.memory_space<vmem>>[vector<16xi32>], vector<16xf32>,
      %mul3A_52 = arith.mulf %gather3A_50, %gather3A_47 : vector<16xf32>
      tpu.vector_store_idx %arg13[%get3A_46], %mul3A_52 {add = true} : memref<10240xf32, #tpu.memory_space<vmem>>[vector<16xi32>], vector<16xf32>,
      tpu.vector_store_idx %arg14[%get3A_42], %gather3A_48 {add = true} : memref<10240xf32, #tpu.memory_space<vmem>>[vector<16xi32>], vector<16xf32>,
      %get3A_53 = arith.constant 0 : i32
      %get3A_54 = arith.index_cast %get3A_53 : i32 to index
      %get3A_55 = arith.constant 32 : index
      %get3A_56 = tpu.vector_load %arg8[%get3A_54, %get3A_55] {strides = array<i32>} : memref<2x128xi32, #tpu.memory_space<vmem>>, vector<16xi32>,
      %get3A_57 = arith.constant 1 : i32
      %get3A_58 = arith.index_cast %get3A_57 : i32 to index
      %get3A_59 = arith.constant 32 : index
      %get3A_60 = tpu.vector_load %arg8[%get3A_58, %get3A_59] {strides = array<i32>} : memref<2x128xi32, #tpu.memory_space<vmem>>, vector<16xi32>,
      %gather3A_61 = tpu.vector_load_idx %arg11[%get3A_56] : memref<10240xf32, #tpu.memory_space<vmem>>[vector<16xi32>], vector<16xf32>,
      %gather3A_62 = tpu.vector_load_idx %arg11[%get3A_60] : memref<10240xf32, #tpu.memory_space<vmem>>[vector<16xi32>], vector<16xf32>,
      %gather3A_63 = tpu.vector_load_idx %arg9[%get3A_56] : memref<10240xf32, #tpu.memory_space<vmem>>[vector<16xi32>], vector<16xf32>,
      %gather3A_64 = tpu.vector_load_idx %arg10[%get3A_56] : memref<10240xf32, #tpu.memory_space<vmem>>[vector<16xi32>], vector<16xf32>,
      %mul3A_65 = arith.mulf %gather3A_63, %gather3A_61 : vector<16xf32>
      tpu.vector_store_idx %arg12[%get3A_60], %mul3A_65 {add = true} : memref<10240xf32, #tpu.memory_space<vmem>>[vector<16xi32>], vector<16xf32>,
      %mul3A_66 = arith.mulf %gather3A_64, %gather3A_61 : vector<16xf32>
      tpu.vector_store_idx %arg13[%get3A_60], %mul3A_66 {add = true} : memref<10240xf32, #tpu.memory_space<vmem>>[vector<16xi32>], vector<16xf32>,
      tpu.vector_store_idx %arg14[%get3A_56], %gather3A_62 {add = true} : memref<10240xf32, #tpu.memory_space<vmem>>[vector<16xi32>], vector<16xf32>,
      %get3A_67 = arith.constant 0 : i32
      %get3A_68 = arith.index_cast %get3A_67 : i32 to index
      %get3A_69 = arith.constant 48 : index
      %get3A_70 = tpu.vector_load %arg8[%get3A_68, %get3A_69] {strides = array<i32>} : memref<2x128xi32, #tpu.memory_space<vmem>>, vector<16xi32>,
      %get3A_71 = arith.constant 1 : i32
      %get3A_72 = arith.index_cast %get3A_71 : i32 to index
      %get3A_73 = arith.constant 48 : index
      %get3A_74 = tpu.vector_load %arg8[%get3A_72, %get3A_73] {strides = array<i32>} : memref<2x128xi32, #tpu.memory_space<vmem>>, vector<16xi32>,
      %gather3A_75 = tpu.vector_load_idx %arg11[%get3A_70] : memref<10240xf32, #tpu.memory_space<vmem>>[vector<16xi32>], vector<16xf32>,
      %gather3A_76 = tpu.vector_load_idx %arg11[%get3A_74] : memref<10240xf32, #tpu.memory_space<vmem>>[vector<16xi32>], vector<16xf32>,
      %gather3A_77 = tpu.vector_load_idx %arg9[%get3A_70] : memref<10240xf32, #tpu.memory_space<vmem>>[vector<16xi32>], vector<16xf32>,
      %gather3A_78 = tpu.vector_load_idx %arg10[%get3A_70] : memref<10240xf32, #tpu.memory_space<vmem>>[vector<16xi32>], vector<16xf32>,
      %mul3A_79 = arith.mulf %gather3A_77, %gather3A_75 : vector<16xf32>
      tpu.vector_store_idx %arg12[%get3A_74], %mul3A_79 {add = true} : memref<10240xf32, #tpu.memory_space<vmem>>[vector<16xi32>], vector<16xf32>,
      %mul3A_80 = arith.mulf %gather3A_78, %gather3A_75 : vector<16xf32>
      tpu.vector_store_idx %arg13[%get3A_74], %mul3A_80 {add = true} : memref<10240xf32, #tpu.memory_space<vmem>>[vector<16xi32>], vector<16xf32>,
      tpu.vector_store_idx %arg14[%get3A_70], %gather3A_76 {add = true} : memref<10240xf32, #tpu.memory_space<vmem>>[vector<16xi32>], vector<16xf32>,
      %get3A_81 = arith.constant 0 : i32
      %get3A_82 = arith.index_cast %get3A_81 : i32 to index
      %get3A_83 = arith.constant 64 : index
      %get3A_84 = tpu.vector_load %arg8[%get3A_82, %get3A_83] {strides = array<i32>} : memref<2x128xi32, #tpu.memory_space<vmem>>, vector<16xi32>,
      %get3A_85 = arith.constant 1 : i32
      %get3A_86 = arith.index_cast %get3A_85 : i32 to index
      %get3A_87 = arith.constant 64 : index
      %get3A_88 = tpu.vector_load %arg8[%get3A_86, %get3A_87] {strides = array<i32>} : memref<2x128xi32, #tpu.memory_space<vmem>>, vector<16xi32>,
      %gather3A_89 = tpu.vector_load_idx %arg11[%get3A_84] : memref<10240xf32, #tpu.memory_space<vmem>>[vector<16xi32>], vector<16xf32>,
      %gather3A_90 = tpu.vector_load_idx %arg11[%get3A_88] : memref<10240xf32, #tpu.memory_space<vmem>>[vector<16xi32>], vector<16xf32>,
      %gather3A_91 = tpu.vector_load_idx %arg9[%get3A_84] : memref<10240xf32, #tpu.memory_space<vmem>>[vector<16xi32>], vector<16xf32>,
      %gather3A_92 = tpu.vector_load_idx %arg10[%get3A_84] : memref<10240xf32, #tpu.memory_space<vmem>>[vector<16xi32>], vector<16xf32>,
      %mul3A_93 = arith.mulf %gather3A_91, %gather3A_89 : vector<16xf32>
      tpu.vector_store_idx %arg12[%get3A_88], %mul3A_93 {add = true} : memref<10240xf32, #tpu.memory_space<vmem>>[vector<16xi32>], vector<16xf32>,
      %mul3A_94 = arith.mulf %gather3A_92, %gather3A_89 : vector<16xf32>
      tpu.vector_store_idx %arg13[%get3A_88], %mul3A_94 {add = true} : memref<10240xf32, #tpu.memory_space<vmem>>[vector<16xi32>], vector<16xf32>,
      tpu.vector_store_idx %arg14[%get3A_84], %gather3A_90 {add = true} : memref<10240xf32, #tpu.memory_space<vmem>>[vector<16xi32>], vector<16xf32>,
      %get3A_95 = arith.constant 0 : i32
      %get3A_96 = arith.index_cast %get3A_95 : i32 to index
      %get3A_97 = arith.constant 80 : index
      %get3A_98 = tpu.vector_load %arg8[%get3A_96, %get3A_97] {strides = array<i32>} : memref<2x128xi32, #tpu.memory_space<vmem>>, vector<16xi32>,
      %get3A_99 = arith.constant 1 : i32
      %get3A_100 = arith.index_cast %get3A_99 : i32 to index
      %get3A_101 = arith.constant 80 : index
      %get3A_102 = tpu.vector_load %arg8[%get3A_100, %get3A_101] {strides = array<i32>} : memref<2x128xi32, #tpu.memory_space<vmem>>, vector<16xi32>,
      %gather3A_103 = tpu.vector_load_idx %arg11[%get3A_98] : memref<10240xf32, #tpu.memory_space<vmem>>[vector<16xi32>], vector<16xf32>,
      %gather3A_104 = tpu.vector_load_idx %arg11[%get3A_102] : memref<10240xf32, #tpu.memory_space<vmem>>[vector<16xi32>], vector<16xf32>,
      %gather3A_105 = tpu.vector_load_idx %arg9[%get3A_98] : memref<10240xf32, #tpu.memory_space<vmem>>[vector<16xi32>], vector<16xf32>,
      %gather3A_106 = tpu.vector_load_idx %arg10[%get3A_98] : memref<10240xf32, #tpu.memory_space<vmem>>[vector<16xi32>], vector<16xf32>,
      %mul3A_107 = arith.mulf %gather3A_105, %gather3A_103 : vector<16xf32>
      tpu.vector_store_idx %arg12[%get3A_102], %mul3A_107 {add = true} : memref<10240xf32, #tpu.memory_space<vmem>>[vector<16xi32>], vector<16xf32>,
      %mul3A_108 = arith.mulf %gather3A_106, %gather3A_103 : vector<16xf32>
      tpu.vector_store_idx %arg13[%get3A_102], %mul3A_108 {add = true} : memref<10240xf32, #tpu.memory_space<vmem>>[vector<16xi32>], vector<16xf32>,
      tpu.vector_store_idx %arg14[%get3A_98], %gather3A_104 {add = true} : memref<10240xf32, #tpu.memory_space<vmem>>[vector<16xi32>], vector<16xf32>,
      %get3A_109 = arith.constant 0 : i32
      %get3A_110 = arith.index_cast %get3A_109 : i32 to index
      %get3A_111 = arith.constant 96 : index
      %get3A_112 = tpu.vector_load %arg8[%get3A_110, %get3A_111] {strides = array<i32>} : memref<2x128xi32, #tpu.memory_space<vmem>>, vector<16xi32>,
      %get3A_113 = arith.constant 1 : i32
      %get3A_114 = arith.index_cast %get3A_113 : i32 to index
      %get3A_115 = arith.constant 96 : index
      %get3A_116 = tpu.vector_load %arg8[%get3A_114, %get3A_115] {strides = array<i32>} : memref<2x128xi32, #tpu.memory_space<vmem>>, vector<16xi32>,
      %gather3A_117 = tpu.vector_load_idx %arg11[%get3A_112] : memref<10240xf32, #tpu.memory_space<vmem>>[vector<16xi32>], vector<16xf32>,
      %gather3A_118 = tpu.vector_load_idx %arg11[%get3A_116] : memref<10240xf32, #tpu.memory_space<vmem>>[vector<16xi32>], vector<16xf32>,
      %gather3A_119 = tpu.vector_load_idx %arg9[%get3A_112] : memref<10240xf32, #tpu.memory_space<vmem>>[vector<16xi32>], vector<16xf32>,
      %gather3A_120 = tpu.vector_load_idx %arg10[%get3A_112] : memref<10240xf32, #tpu.memory_space<vmem>>[vector<16xi32>], vector<16xf32>,
      %mul3A_121 = arith.mulf %gather3A_119, %gather3A_117 : vector<16xf32>
      tpu.vector_store_idx %arg12[%get3A_116], %mul3A_121 {add = true} : memref<10240xf32, #tpu.memory_space<vmem>>[vector<16xi32>], vector<16xf32>,
      %mul3A_122 = arith.mulf %gather3A_120, %gather3A_117 : vector<16xf32>
      tpu.vector_store_idx %arg13[%get3A_116], %mul3A_122 {add = true} : memref<10240xf32, #tpu.memory_space<vmem>>[vector<16xi32>], vector<16xf32>,
      tpu.vector_store_idx %arg14[%get3A_112], %gather3A_118 {add = true} : memref<10240xf32, #tpu.memory_space<vmem>>[vector<16xi32>], vector<16xf32>,
      %get3A_123 = arith.constant 0 : i32
      %get3A_124 = arith.index_cast %get3A_123 : i32 to index
      %get3A_125 = arith.constant 112 : index
      %get3A_126 = tpu.vector_load %arg8[%get3A_124, %get3A_125] {strides = array<i32>} : memref<2x128xi32, #tpu.memory_space<vmem>>, vector<16xi32>,
      %get3A_127 = arith.constant 1 : i32
      %get3A_128 = arith.index_cast %get3A_127 : i32 to index
      %get3A_129 = arith.constant 112 : index
      %get3A_130 = tpu.vector_load %arg8[%get3A_128, %get3A_129] {strides = array<i32>} : memref<2x128xi32, #tpu.memory_space<vmem>>, vector<16xi32>,
      %gather3A_131 = tpu.vector_load_idx %arg11[%get3A_126] : memref<10240xf32, #tpu.memory_space<vmem>>[vector<16xi32>], vector<16xf32>,
      %gather3A_132 = tpu.vector_load_idx %arg11[%get3A_130] : memref<10240xf32, #tpu.memory_space<vmem>>[vector<16xi32>], vector<16xf32>,
      %gather3A_133 = tpu.vector_load_idx %arg9[%get3A_126] : memref<10240xf32, #tpu.memory_space<vmem>>[vector<16xi32>], vector<16xf32>,
      %gather3A_134 = tpu.vector_load_idx %arg10[%get3A_126] : memref<10240xf32, #tpu.memory_space<vmem>>[vector<16xi32>], vector<16xf32>,
      %mul3A_135 = arith.mulf %gather3A_133, %gather3A_131 : vector<16xf32>
      tpu.vector_store_idx %arg12[%get3A_130], %mul3A_135 {add = true} : memref<10240xf32, #tpu.memory_space<vmem>>[vector<16xi32>], vector<16xf32>,
      %mul3A_136 = arith.mulf %gather3A_134, %gather3A_131 : vector<16xf32>
      tpu.vector_store_idx %arg13[%get3A_130], %mul3A_136 {add = true} : memref<10240xf32, #tpu.memory_space<vmem>>[vector<16xi32>], vector<16xf32>,
      tpu.vector_store_idx %arg14[%get3A_126], %gather3A_132 {add = true} : memref<10240xf32, #tpu.memory_space<vmem>>[vector<16xi32>], vector<16xf32>,
    } else {
    }
    %mul3A_16 = arith.constant 320 : i32
    %mul3A_17 = arith.muli %add3A, %mul3A_16 : i32
    %add3A_18 = arith.constant 320 : i32
    %add3A_19 = arith.addi %mul3A_17, %add3A_18 : i32
    %parallel_loop3A_20 = arith.constant 16 : i32
    scf.for %parallel_loop3A_23 = %mul3A_17 to %add3A_19 step %parallel_loop3A_20  : i32 {
      %parallel_loop3A_24 = arith.index_cast %parallel_loop3A_23 : i32 to index
      %parallel_loop3A_25 = tpu.vector_load %arg11[%parallel_loop3A_24] {strides = array<i32>} : memref<10240xf32, #tpu.memory_space<vmem>>, vector<16xf32>,
      %parallel_loop3A_26 = arith.index_cast %parallel_loop3A_23 : i32 to index
      %parallel_loop3A_27 = tpu.vector_load %arg9[%parallel_loop3A_26] {strides = array<i32>} : memref<10240xf32, #tpu.memory_space<vmem>>, vector<16xf32>,
      %parallel_loop3A_28 = arith.index_cast %parallel_loop3A_23 : i32 to index
      %parallel_loop3A_29 = tpu.vector_load %arg10[%parallel_loop3A_28] {strides = array<i32>} : memref<10240xf32, #tpu.memory_space<vmem>>, vector<16xf32>,
      %parallel_loop3A_30 = arith.index_cast %parallel_loop3A_23 : i32 to index
      %parallel_loop3A_31 = tpu.vector_load %arg12[%parallel_loop3A_30] {strides = array<i32>} : memref<10240xf32, #tpu.memory_space<vmem>>, vector<16xf32>,
      %parallel_loop3A_32 = arith.mulf %parallel_loop3A_27, %parallel_loop3A_25 : vector<16xf32>
      %parallel_loop3A_33 = arith.addf %parallel_loop3A_31, %parallel_loop3A_32 : vector<16xf32>
      %parallel_loop3A_34 = arith.index_cast %parallel_loop3A_23 : i32 to index
      %parallel_loop3A_35 = tpu.vector_load %arg12[%parallel_loop3A_34] {strides = array<i32>} : memref<10240xf32, #tpu.memory_space<vmem>>, vector<16xf32>,
      tpu.vector_store %arg12[%parallel_loop3A_34], %parallel_loop3A_33 {strides = array<i32>} : memref<10240xf32, #tpu.memory_space<vmem>>, vector<16xf32>,
      %parallel_loop3A_36 = arith.index_cast %parallel_loop3A_23 : i32 to index
      %parallel_loop3A_37 = tpu.vector_load %arg13[%parallel_loop3A_36] {strides = array<i32>} : memref<10240xf32, #tpu.memory_space<vmem>>, vector<16xf32>,
      %parallel_loop3A_38 = arith.mulf %parallel_loop3A_29, %parallel_loop3A_25 : vector<16xf32>
      %parallel_loop3A_39 = arith.addf %parallel_loop3A_37, %parallel_loop3A_38 : vector<16xf32>
      %parallel_loop3A_40 = arith.index_cast %parallel_loop3A_23 : i32 to index
      %parallel_loop3A_41 = tpu.vector_load %arg13[%parallel_loop3A_40] {strides = array<i32>} : memref<10240xf32, #tpu.memory_space<vmem>>, vector<16xf32>,
      tpu.vector_store %arg13[%parallel_loop3A_40], %parallel_loop3A_39 {strides = array<i32>} : memref<10240xf32, #tpu.memory_space<vmem>>, vector<16xf32>,
      %parallel_loop3A_42 = arith.index_cast %parallel_loop3A_23 : i32 to index
      %parallel_loop3A_43 = tpu.vector_load %arg14[%parallel_loop3A_42] {strides = array<i32>} : memref<10240xf32, #tpu.memory_space<vmem>>, vector<16xf32>,
      %parallel_loop3A_44 = arith.addf %parallel_loop3A_43, %parallel_loop3A_25 : vector<16xf32>
      %parallel_loop3A_45 = arith.index_cast %parallel_loop3A_23 : i32 to index
      %parallel_loop3A_46 = tpu.vector_load %arg14[%parallel_loop3A_45] {strides = array<i32>} : memref<10240xf32, #tpu.memory_space<vmem>>, vector<16xf32>,
      tpu.vector_store %arg14[%parallel_loop3A_45], %parallel_loop3A_44 {strides = array<i32>} : memref<10240xf32, #tpu.memory_space<vmem>>, vector<16xf32>,
    } {sc.loop_unroll_factor = 4 : i64, sc.parallel_access}
    %run_scoped3A = arith.constant 0 : i32
    "tpu.region"() ({
      %run_scoped3A_23 = tpu.sem_alloc : memref<!tpu.dma_semaphore, #tpu.memory_space<semaphore_mem>>
      %dma_start3A_24 = arith.constant 0 : i32
      %dma_start3A_25 = tpu.memref_slice %arg6[%run_scoped3A, %add3A, %dma_start3A_24] : memref<3x32x10240xf32, #tpu.memory_space<hbm>> -> memref<1x1x10240xf32, #tpu.memory_space<hbm>>
      %dma_start3A_26 = tpu.memref_squeeze %dma_start3A_25 : memref<1x1x10240xf32, #tpu.memory_space<hbm>> -> memref<10240xf32, #tpu.memory_space<hbm>>
      %dma_start3A_27 = arith.constant 0 : i32
      %dma_start3A_28 = tpu.memref_slice %arg6[%run_scoped3A, %add3A, %dma_start3A_27] : memref<3x32x10240xf32, #tpu.memory_space<hbm>> -> memref<1x1x10240xf32, #tpu.memory_space<hbm>>
      %dma_start3A_29 = tpu.memref_squeeze %dma_start3A_28 : memref<1x1x10240xf32, #tpu.memory_space<hbm>> -> memref<10240xf32, #tpu.memory_space<hbm>>
      tpu.enqueue_dma source(%arg12 : memref<10240xf32, #tpu.memory_space<vmem>>) target(%dma_start3A_29 : memref<10240xf32, #tpu.memory_space<hbm>>) target_semaphore(%run_scoped3A_23 : memref<!tpu.dma_semaphore, #tpu.memory_space<semaphore_mem>>)
      %dma_wait3A_30 = arith.constant 0 : i32
      %dma_wait3A_31 = tpu.memref_slice %arg6[%run_scoped3A, %add3A, %dma_wait3A_30] : memref<3x32x10240xf32, #tpu.memory_space<hbm>> -> memref<1x1x10240xf32, #tpu.memory_space<hbm>>
      %dma_wait3A_32 = tpu.memref_squeeze %dma_wait3A_31 : memref<1x1x10240xf32, #tpu.memory_space<hbm>> -> memref<10240xf32, #tpu.memory_space<hbm>>
      %dma_wait3A_33 = arith.constant 0 : i32
      %dma_wait3A_34 = tpu.memref_slice %arg6[%run_scoped3A, %add3A, %dma_wait3A_33] : memref<3x32x10240xf32, #tpu.memory_space<hbm>> -> memref<1x1x10240xf32, #tpu.memory_space<hbm>>
      %dma_wait3A_35 = tpu.memref_squeeze %dma_wait3A_34 : memref<1x1x10240xf32, #tpu.memory_space<hbm>> -> memref<10240xf32, #tpu.memory_space<hbm>>
      tpu.wait_dma2 semaphore(%run_scoped3A_23 : memref<!tpu.dma_semaphore, #tpu.memory_space<semaphore_mem>>) src(%arg12 : memref<10240xf32, #tpu.memory_space<vmem>>) dst(%dma_wait3A_35 : memref<10240xf32, #tpu.memory_space<hbm>>)
      tpu.yield
    }) : () -> ()
    %run_scoped3A_21 = arith.constant 1 : i32
    "tpu.region"() ({
      %run_scoped3A_23 = tpu.sem_alloc : memref<!tpu.dma_semaphore, #tpu.memory_space<semaphore_mem>>
      %dma_start3A_24 = arith.constant 0 : i32
      %dma_start3A_25 = tpu.memref_slice %arg6[%run_scoped3A_21, %add3A, %dma_start3A_24] : memref<3x32x10240xf32, #tpu.memory_space<hbm>> -> memref<1x1x10240xf32, #tpu.memory_space<hbm>>
      %dma_start3A_26 = tpu.memref_squeeze %dma_start3A_25 : memref<1x1x10240xf32, #tpu.memory_space<hbm>> -> memref<10240xf32, #tpu.memory_space<hbm>>
      %dma_start3A_27 = arith.constant 0 : i32
      %dma_start3A_28 = tpu.memref_slice %arg6[%run_scoped3A_21, %add3A, %dma_start3A_27] : memref<3x32x10240xf32, #tpu.memory_space<hbm>> -> memref<1x1x10240xf32, #tpu.memory_space<hbm>>
      %dma_start3A_29 = tpu.memref_squeeze %dma_start3A_28 : memref<1x1x10240xf32, #tpu.memory_space<hbm>> -> memref<10240xf32, #tpu.memory_space<hbm>>
      tpu.enqueue_dma source(%arg13 : memref<10240xf32, #tpu.memory_space<vmem>>) target(%dma_start3A_29 : memref<10240xf32, #tpu.memory_space<hbm>>) target_semaphore(%run_scoped3A_23 : memref<!tpu.dma_semaphore, #tpu.memory_space<semaphore_mem>>)
      %dma_wait3A_30 = arith.constant 0 : i32
      %dma_wait3A_31 = tpu.memref_slice %arg6[%run_scoped3A_21, %add3A, %dma_wait3A_30] : memref<3x32x10240xf32, #tpu.memory_space<hbm>> -> memref<1x1x10240xf32, #tpu.memory_space<hbm>>
      %dma_wait3A_32 = tpu.memref_squeeze %dma_wait3A_31 : memref<1x1x10240xf32, #tpu.memory_space<hbm>> -> memref<10240xf32, #tpu.memory_space<hbm>>
      %dma_wait3A_33 = arith.constant 0 : i32
      %dma_wait3A_34 = tpu.memref_slice %arg6[%run_scoped3A_21, %add3A, %dma_wait3A_33] : memref<3x32x10240xf32, #tpu.memory_space<hbm>> -> memref<1x1x10240xf32, #tpu.memory_space<hbm>>
      %dma_wait3A_35 = tpu.memref_squeeze %dma_wait3A_34 : memref<1x1x10240xf32, #tpu.memory_space<hbm>> -> memref<10240xf32, #tpu.memory_space<hbm>>
      tpu.wait_dma2 semaphore(%run_scoped3A_23 : memref<!tpu.dma_semaphore, #tpu.memory_space<semaphore_mem>>) src(%arg13 : memref<10240xf32, #tpu.memory_space<vmem>>) dst(%dma_wait3A_35 : memref<10240xf32, #tpu.memory_space<hbm>>)
      tpu.yield
    }) : () -> ()
    %run_scoped3A_22 = arith.constant 2 : i32
    "tpu.region"() ({
      %run_scoped3A_23 = tpu.sem_alloc : memref<!tpu.dma_semaphore, #tpu.memory_space<semaphore_mem>>
      %dma_start3A_24 = arith.constant 0 : i32
      %dma_start3A_25 = tpu.memref_slice %arg6[%run_scoped3A_22, %add3A, %dma_start3A_24] : memref<3x32x10240xf32, #tpu.memory_space<hbm>> -> memref<1x1x10240xf32, #tpu.memory_space<hbm>>
      %dma_start3A_26 = tpu.memref_squeeze %dma_start3A_25 : memref<1x1x10240xf32, #tpu.memory_space<hbm>> -> memref<10240xf32, #tpu.memory_space<hbm>>
      %dma_start3A_27 = arith.constant 0 : i32
      %dma_start3A_28 = tpu.memref_slice %arg6[%run_scoped3A_22, %add3A, %dma_start3A_27] : memref<3x32x10240xf32, #tpu.memory_space<hbm>> -> memref<1x1x10240xf32, #tpu.memory_space<hbm>>
      %dma_start3A_29 = tpu.memref_squeeze %dma_start3A_28 : memref<1x1x10240xf32, #tpu.memory_space<hbm>> -> memref<10240xf32, #tpu.memory_space<hbm>>
      tpu.enqueue_dma source(%arg14 : memref<10240xf32, #tpu.memory_space<vmem>>) target(%dma_start3A_29 : memref<10240xf32, #tpu.memory_space<hbm>>) target_semaphore(%run_scoped3A_23 : memref<!tpu.dma_semaphore, #tpu.memory_space<semaphore_mem>>)
      %dma_wait3A_30 = arith.constant 0 : i32
      %dma_wait3A_31 = tpu.memref_slice %arg6[%run_scoped3A_22, %add3A, %dma_wait3A_30] : memref<3x32x10240xf32, #tpu.memory_space<hbm>> -> memref<1x1x10240xf32, #tpu.memory_space<hbm>>
      %dma_wait3A_32 = tpu.memref_squeeze %dma_wait3A_31 : memref<1x1x10240xf32, #tpu.memory_space<hbm>> -> memref<10240xf32, #tpu.memory_space<hbm>>
      %dma_wait3A_33 = arith.constant 0 : i32
      %dma_wait3A_34 = tpu.memref_slice %arg6[%run_scoped3A_22, %add3A, %dma_wait3A_33] : memref<3x32x10240xf32, #tpu.memory_space<hbm>> -> memref<1x1x10240xf32, #tpu.memory_space<hbm>>
      %dma_wait3A_35 = tpu.memref_squeeze %dma_wait3A_34 : memref<1x1x10240xf32, #tpu.memory_space<hbm>> -> memref<10240xf32, #tpu.memory_space<hbm>>
      tpu.wait_dma2 semaphore(%run_scoped3A_23 : memref<!tpu.dma_semaphore, #tpu.memory_space<semaphore_mem>>) src(%arg14 : memref<10240xf32, #tpu.memory_space<vmem>>) dst(%dma_wait3A_35 : memref<10240xf32, #tpu.memory_space<hbm>>)
      tpu.yield
    }) : () -> ()
    return
  }
}

module attributes {stable_mosaic.version = 14 : i64} {
  func.func @body(%arg0: memref<32x10240xf32, #tpu.memory_space<vmem>>, %arg1: memref<10240xf32, #tpu.memory_space<vmem>>) attributes {dimension_semantics = [], scalar_prefetch = 0 : i64, scratch_operands = 0 : i64, tpu.core_type = #tpu.core_type<tc>} {
    %get3A = arith.constant 0 : index
    %get3A_0 = arith.constant 0 : index
    %get3A_1 = vector.load %arg0[%get3A, %get3A_0] : memref<32x10240xf32, #tpu.memory_space<vmem>>, vector<32x10240xf32>
    %reduce_sum3A = arith.constant dense<0.000000e+00> : vector<10240xf32>
    %reduce_sum3A_2 = vector.multi_reduction <add>, %get3A_1, %reduce_sum3A [0] : vector<32x10240xf32> to vector<10240xf32>
    %add3A = arith.constant 1.000000e+00 : f32
    %add3A_3 = vector.broadcast %add3A : f32 to vector<10240xf32>
    %add3A_4 = arith.addf %reduce_sum3A_2, %add3A_3 : vector<10240xf32>
    %rsqrt3A = math.rsqrt %add3A_4 : vector<10240xf32>
    %swap3A = arith.constant 0 : index
    %swap3A_5 = vector.load %arg1[%swap3A] : memref<10240xf32, #tpu.memory_space<vmem>>, vector<10240xf32>
    tpu.vector_store %arg1[%swap3A], %rsqrt3A {strides = array<i32>} : memref<10240xf32, #tpu.memory_space<vmem>>, vector<10240xf32>,
    return
  }
}

module attributes {stable_mosaic.version = 14 : i64} {
  func.func @body(%arg0: memref<10000x128xf32, #tpu.memory_space<vmem>>, %arg1: memref<2x128xf32, #tpu.memory_space<vmem>>, %arg2: memref<10240xf32, #tpu.memory_space<vmem>>, %arg3: memref<10240xf32, #tpu.memory_space<vmem>>) attributes {dimension_semantics = [], scalar_prefetch = 0 : i64, scratch_operands = 0 : i64, tpu.core_type = #tpu.core_type<tc>} {
    %get3A = arith.constant 0 : index
    %get3A_0 = arith.constant 0 : index
    %get3A_1 = vector.load %arg1[%get3A, %get3A_0] : memref<2x128xf32, #tpu.memory_space<vmem>>, vector<2x128xf32>
    %get3A_2 = arith.constant 0 : index
    %get3A_3 = arith.constant 0 : index
    %get3A_4 = vector.load %arg0[%get3A_2, %get3A_3] : memref<10000x128xf32, #tpu.memory_space<vmem>>, vector<10000x128xf32>
    %dot_general3A = arith.constant dense<0.000000e+00> : vector<2x10000xf32>
    %dot_general3A_5 = tpu.matmul %get3A_1, %get3A_4, %dot_general3A {dimension_numbers = #tpu.dot_dimension_numbers<[1], [1], [0], [0], [0, 0, 1, 0], [], []>, transpose_lhs_hint = false} : vector<2x128xf32>, vector<10000x128xf32>, vector<2x10000xf32> -> vector<2x10000xf32>
    %broadcast_in_dim3A = arith.constant 0.000000e+00 : f32
    %broadcast_in_dim3A_6 = vector.broadcast %broadcast_in_dim3A : f32 to vector<10240xf32>
    %swap3A = arith.constant 0 : index
    %swap3A_7 = vector.load %arg2[%swap3A] : memref<10240xf32, #tpu.memory_space<vmem>>, vector<10240xf32>
    tpu.vector_store %arg2[%swap3A], %broadcast_in_dim3A_6 {strides = array<i32>} : memref<10240xf32, #tpu.memory_space<vmem>>, vector<10240xf32>,
    %broadcast_in_dim3A_8 = arith.constant 0.000000e+00 : f32
    %broadcast_in_dim3A_9 = vector.broadcast %broadcast_in_dim3A_8 : f32 to vector<10240xf32>
    %swap3A_10 = arith.constant 0 : index
    %swap3A_11 = vector.load %arg3[%swap3A_10] : memref<10240xf32, #tpu.memory_space<vmem>>, vector<10240xf32>
    tpu.vector_store %arg3[%swap3A_10], %broadcast_in_dim3A_9 {strides = array<i32>} : memref<10240xf32, #tpu.memory_space<vmem>>, vector<10240xf32>,
    %slice3A = vector.extract_strided_slice %dot_general3A_5 {offsets = [0, 0], sizes = [1, 10000], strides = [1, 1]} : vector<2x10000xf32> to vector<1x10000xf32>
    %squeeze3A = vector.shape_cast %slice3A : vector<1x10000xf32> to vector<10000xf32>
    %swap3A_12 = arith.constant 0 : index
    %swap3A_13 = vector.load %arg2[%swap3A_12] : memref<10240xf32, #tpu.memory_space<vmem>>, vector<10000xf32>
    tpu.vector_store %arg2[%swap3A_12], %squeeze3A {strides = array<i32>} : memref<10240xf32, #tpu.memory_space<vmem>>, vector<10000xf32>,
    %slice3A_14 = vector.extract_strided_slice %dot_general3A_5 {offsets = [1, 0], sizes = [1, 10000], strides = [1, 1]} : vector<2x10000xf32> to vector<1x10000xf32>
    %squeeze3A_15 = vector.shape_cast %slice3A_14 : vector<1x10000xf32> to vector<10000xf32>
    %swap3A_16 = arith.constant 0 : index
    %swap3A_17 = vector.load %arg3[%swap3A_16] : memref<10240xf32, #tpu.memory_space<vmem>>, vector<10000xf32>
    tpu.vector_store %arg3[%swap3A_16], %squeeze3A_15 {strides = array<i32>} : memref<10240xf32, #tpu.memory_space<vmem>>, vector<10000xf32>,
    return
  }
}

module attributes {stable_mosaic.version = 14 : i64} {
  func.func @body(%arg0: memref<3x32x10240xf32, #tpu.memory_space<vmem>>, %arg1: memref<10240xf32, #tpu.memory_space<vmem>>, %arg2: memref<2xf32, #tpu.memory_space<smem>>, %arg3: memref<2x2xf32, #tpu.memory_space<smem>>, %arg4: memref<2xf32, #tpu.memory_space<smem>>, %arg5: memref<2x64xf32, #tpu.memory_space<vmem>>, %arg6: memref<1x64xf32, #tpu.memory_space<vmem>>, %arg7: memref<1x64xf32, #tpu.memory_space<vmem>>) attributes {dimension_semantics = [], scalar_prefetch = 0 : i64, scratch_operands = 0 : i64, tpu.core_type = #tpu.core_type<tc>} {
    %get3A = arith.constant 0 : index
    %get3A_0 = arith.constant 0 : index
    %get3A_1 = arith.constant 0 : index
    %get3A_2 = vector.load %arg0[%get3A, %get3A_0, %get3A_1] : memref<3x32x10240xf32, #tpu.memory_space<vmem>>, vector<1x32x10240xf32>
    %get3A_3 = vector.shape_cast %get3A_2 : vector<1x32x10240xf32> to vector<32x10240xf32>
    %reduce_sum3A = arith.constant dense<0.000000e+00> : vector<10240xf32>
    %reduce_sum3A_4 = vector.multi_reduction <add>, %get3A_3, %reduce_sum3A [0] : vector<32x10240xf32> to vector<10240xf32>
    %get3A_5 = arith.constant 1 : index
    %get3A_6 = arith.constant 0 : index
    %get3A_7 = arith.constant 0 : index
    %get3A_8 = vector.load %arg0[%get3A_5, %get3A_6, %get3A_7] : memref<3x32x10240xf32, #tpu.memory_space<vmem>>, vector<1x32x10240xf32>
    %get3A_9 = vector.shape_cast %get3A_8 : vector<1x32x10240xf32> to vector<32x10240xf32>
    %reduce_sum3A_10 = arith.constant dense<0.000000e+00> : vector<10240xf32>
    %reduce_sum3A_11 = vector.multi_reduction <add>, %get3A_9, %reduce_sum3A_10 [0] : vector<32x10240xf32> to vector<10240xf32>
    %get3A_12 = arith.constant 2 : index
    %get3A_13 = arith.constant 0 : index
    %get3A_14 = arith.constant 0 : index
    %get3A_15 = vector.load %arg0[%get3A_12, %get3A_13, %get3A_14] : memref<3x32x10240xf32, #tpu.memory_space<vmem>>, vector<1x32x10240xf32>
    %get3A_16 = vector.shape_cast %get3A_15 : vector<1x32x10240xf32> to vector<32x10240xf32>
    %reduce_sum3A_17 = arith.constant dense<0.000000e+00> : vector<10240xf32>
    %reduce_sum3A_18 = vector.multi_reduction <add>, %get3A_16, %reduce_sum3A_17 [0] : vector<32x10240xf32> to vector<10240xf32>
    %get3A_19 = arith.constant 0 : index
    %get3A_20 = vector.load %arg1[%get3A_19] : memref<10240xf32, #tpu.memory_space<vmem>>, vector<10240xf32>
    %mul3A = arith.mulf %get3A_20, %reduce_sum3A_4 : vector<10240xf32>
    %get3A_21 = arith.constant 0 : index
    %get3A_22 = memref.load %arg2[%get3A_21] : memref<2xf32, #tpu.memory_space<smem>>
    %add3A = vector.broadcast %get3A_22 : f32 to vector<10240xf32>
    %add3A_23 = arith.addf %mul3A, %add3A : vector<10240xf32>
    %mul3A_24 = arith.mulf %get3A_20, %reduce_sum3A_11 : vector<10240xf32>
    %get3A_25 = arith.constant 1 : index
    %get3A_26 = memref.load %arg2[%get3A_25] : memref<2xf32, #tpu.memory_space<smem>>
    %add3A_27 = vector.broadcast %get3A_26 : f32 to vector<10240xf32>
    %add3A_28 = arith.addf %mul3A_24, %add3A_27 : vector<10240xf32>
    %mul3A_29 = arith.mulf %get3A_20, %reduce_sum3A_18 : vector<10240xf32>
    %iota3A = tpu.iota {dimensions = array<i32: 1>} : vector<1x10240xi32>
    %iota3A_30 = vector.shape_cast %iota3A : vector<1x10240xi32> to vector<10240xi32>
    %lt3A = arith.constant 10000 : i32
    %lt3A_31 = vector.broadcast %lt3A : i32 to vector<10240xi32>
    %lt3A_32 = arith.cmpi slt, %iota3A_30, %lt3A_31 : vector<10240xi32>
    %mul3A_33 = arith.mulf %add3A_23, %mul3A_29 : vector<10240xf32>
    %jit3A = arith.constant 0.000000e+00 : f32
    %broadcast_in_dim3A = vector.broadcast %jit3A : f32 to vector<10240xf32>
    %select_n3A = arith.select %lt3A_32, %mul3A_33, %broadcast_in_dim3A : vector<10240xi1>, vector<10240xf32>
    %reduce_sum3A_34 = vector.shape_cast %select_n3A : vector<10240xf32> to vector<1x10240xf32>
    %reduce_sum3A_35 = arith.constant dense<0.000000e+00> : vector<1xf32>
    %reduce_sum3A_36 = vector.multi_reduction <add>, %reduce_sum3A_34, %reduce_sum3A_35 [1] : vector<1x10240xf32> to vector<1xf32>
    %reduce_sum3A_37 = vector.shape_cast %reduce_sum3A_36 : vector<1xf32> to vector<1x1xf32>
    %reduce_sum3A_38 = vector.extract %reduce_sum3A_37[0, 0] : f32 from vector<1x1xf32>
    %mul3A_39 = arith.mulf %add3A_28, %mul3A_29 : vector<10240xf32>
    %jit3A_40 = arith.constant 0.000000e+00 : f32
    %broadcast_in_dim3A_41 = vector.broadcast %jit3A_40 : f32 to vector<10240xf32>
    %select_n3A_42 = arith.select %lt3A_32, %mul3A_39, %broadcast_in_dim3A_41 : vector<10240xi1>, vector<10240xf32>
    %reduce_sum3A_43 = vector.shape_cast %select_n3A_42 : vector<10240xf32> to vector<1x10240xf32>
    %reduce_sum3A_44 = arith.constant dense<0.000000e+00> : vector<1xf32>
    %reduce_sum3A_45 = vector.multi_reduction <add>, %reduce_sum3A_43, %reduce_sum3A_44 [1] : vector<1x10240xf32> to vector<1xf32>
    %reduce_sum3A_46 = vector.shape_cast %reduce_sum3A_45 : vector<1xf32> to vector<1x1xf32>
    %reduce_sum3A_47 = vector.extract %reduce_sum3A_46[0, 0] : f32 from vector<1x1xf32>
    %get3A_48 = arith.constant 0 : index
    %get3A_49 = arith.constant 0 : index
    %get3A_50 = memref.load %arg3[%get3A_48, %get3A_49] : memref<2x2xf32, #tpu.memory_space<smem>>
    %mul3A_51 = arith.mulf %reduce_sum3A_38, %get3A_50 : f32
    %get3A_52 = arith.constant 1 : index
    %get3A_53 = arith.constant 0 : index
    %get3A_54 = memref.load %arg3[%get3A_52, %get3A_53] : memref<2x2xf32, #tpu.memory_space<smem>>
    %mul3A_55 = arith.mulf %reduce_sum3A_47, %get3A_54 : f32
    %add3A_56 = arith.addf %mul3A_51, %mul3A_55 : f32
    %mul3A_57 = arith.constant 9.99999974E-5 : f32
    %mul3A_58 = arith.mulf %add3A_56, %mul3A_57 : f32
    %get3A_59 = arith.constant 0 : index
    %get3A_60 = memref.load %arg4[%get3A_59] : memref<2xf32, #tpu.memory_space<smem>>
    %add3A_61 = arith.addf %mul3A_58, %get3A_60 : f32
    %get3A_62 = arith.constant 0 : index
    %get3A_63 = arith.constant 1 : index
    %get3A_64 = memref.load %arg3[%get3A_62, %get3A_63] : memref<2x2xf32, #tpu.memory_space<smem>>
    %mul3A_65 = arith.mulf %reduce_sum3A_38, %get3A_64 : f32
    %get3A_66 = arith.constant 1 : index
    %get3A_67 = arith.constant 1 : index
    %get3A_68 = memref.load %arg3[%get3A_66, %get3A_67] : memref<2x2xf32, #tpu.memory_space<smem>>
    %mul3A_69 = arith.mulf %reduce_sum3A_47, %get3A_68 : f32
    %add3A_70 = arith.addf %mul3A_65, %mul3A_69 : f32
    %mul3A_71 = arith.constant 9.99999974E-5 : f32
    %mul3A_72 = arith.mulf %add3A_70, %mul3A_71 : f32
    %get3A_73 = arith.constant 1 : index
    %get3A_74 = memref.load %arg4[%get3A_73] : memref<2xf32, #tpu.memory_space<smem>>
    %add3A_75 = arith.addf %mul3A_72, %get3A_74 : f32
    %get3A_76 = arith.constant 0 : index
    %get3A_77 = arith.constant 0 : index
    %get3A_78 = vector.load %arg5[%get3A_76, %get3A_77] : memref<2x64xf32, #tpu.memory_space<vmem>>, vector<1x64xf32>
    %mul3A_79 = vector.broadcast %add3A_61 : f32 to vector<1x64xf32>
    %mul3A_80 = arith.mulf %mul3A_79, %get3A_78 : vector<1x64xf32>
    %get3A_81 = arith.constant 1 : index
    %get3A_82 = arith.constant 0 : index
    %get3A_83 = vector.load %arg5[%get3A_81, %get3A_82] : memref<2x64xf32, #tpu.memory_space<vmem>>, vector<1x64xf32>
    %mul3A_84 = vector.broadcast %add3A_75 : f32 to vector<1x64xf32>
    %mul3A_85 = arith.mulf %mul3A_84, %get3A_83 : vector<1x64xf32>
    %add3A_86 = arith.addf %mul3A_80, %mul3A_85 : vector<1x64xf32>
    %get3A_87 = arith.constant 0 : index
    %get3A_88 = arith.constant 0 : index
    %get3A_89 = vector.load %arg6[%get3A_87, %get3A_88] : memref<1x64xf32, #tpu.memory_space<vmem>>, vector<1x64xf32>
    %add3A_90 = arith.addf %add3A_86, %get3A_89 : vector<1x64xf32>
    %swap3A = arith.constant 0 : index
    %swap3A_91 = arith.constant 0 : index
    %swap3A_92 = vector.load %arg7[%swap3A, %swap3A_91] : memref<1x64xf32, #tpu.memory_space<vmem>>, vector<1x64xf32>
    tpu.vector_store %arg7[%swap3A, %swap3A_91], %add3A_90 {strides = array<i32>} : memref<1x64xf32, #tpu.memory_space<vmem>>, vector<1x64xf32>,
    return
  }
}

</mosaic_0001>

<sc_bundles>
// kernel: kernel.10.cloned.1.call-start
scs
__scs_entry_jumppad:
0x0: {  	(pc) =	sbr.rel $0x88, $3  }
0x1: {  	(tag) =	ssettag $0x0;
	lr =	simm.s32 $0x1  }
0x2: {  	[smem:$0x3F99] =	sst lr;
	_ =	strace $0xD0000000  }
0x3: {  	_ = 	snop  }
0x4: {  	_ = 	snop  }
0x5: {  	_ = 	snop  }
0x6: {  	_ = 	snop  }
0x7: {  	_ = 	snop  }
__scs_overlays_trampoline_lowered:
0x8: {  	[smem:$0x3FA8] =	sst s0  }
0x9: {  	[smem:$0x3FA9] =	sst s1  }
0xa: {  	[smem:$0x3FAA] =	sst s2  }
0xb: {  	[smem:$0x3FAB] =	sst s3  }
0xc: {  	[smem:$0x3FAC] =	sst s4  }
0xd: {  	[smem:$0x3FAD] =	sst s5  }
0xe: {  	[smem:$0x3FAE] =	sst s6  }
0xf: {  	[smem:$0x3FAF] =	sst s7  }
0x10: {  	[smem:$0x3FB0] =	sst s8  }
0x11: {  	[smem:$0x3FB1] =	sst s9;
	s0 =	simm.s32 @!p0 $0x0  }
0x12: {  	s1 =	sld [smem:$0x3F97];
	s0 =	simm.s32 @p0 $0x1  }
0x13: {  	[smem:$0x3FB2] =	sst s0;
	s0 =	simm.s32 @!p1 $0x0  }
0x14: {  	s2 =	sld [smem:$0x3F96];
	s0 =	simm.s32 @p1 $0x1  }
0x15: {  	[smem:$0x3FB3] =	sst s0;
	s0 =	simm.s32 @!p2 $0x0  }
0x16: {  	s3 =	sld [smem:$0x3FDB];
	s0 =	simm.s32 @p2 $0x1  }
0x17: {  	s4 =	simm.s32 $0x1BF5;
	[smem:$0x3FB5] =	sst s0  }
0x18: {  	s0 =	sld [smem:$0x3F98];
	_ =	swait.ge [sflag:s4], $0x0  }
0x19: {  	s7 =	sld [smem:$0x3F99]  }
0x1a: {  	s8 =	sadd.s32 $0xFFFFE003, lr  }
0x1b: {  	s9 =	sadd.s32 $0xFFFFFEF7, lr;
	s5 =	simm.s32 $0xFFFFFFFF;
	p2 =	slt.u32 s8, $0xFFFFF086  }
0x1c: {  	p1 =	slt.u32 s9, $0xF7A;
	s5 =	simm.s32 @!p2 $0x0  }
0x1d: {  	s5 =	simm.s32 @p1 $0x1;
	p0 =	seq.s32 s7, s2  }
0x1e: {  	s7 =	smul.u32 @!p0 $0xF7A, s2;
	p2 =	seq.s32 @!p0 s5, $0x0  }
0x1f: {  	s9 =	smul.u32 $0xF7A, s1;
	s8 =	simm.s32 @!p0 $0x1BF5;
	p2 =	por !p2, p0  }
0x20: {  	[sflag:s8] =	ssyncset.s32 @!p0 $0xFFFFF086;
	s6 =	sadd.s32 @!p0 s3, s7;
	s7 =	simm.s32 @!p0 $0x108  }
0x21: {  	s3 =	sadd.s32 s3, s9;
	s6 =	sadd.s32 @!p0 $0x88, s6;
	s7 =	simm.s32 @p2 $0x1082  }
0x22: {  	[simem:s7], [sflag:s8] =	dma.local @!p0 [hbm:s6], $0xF7A  }
0x23: {  	s9 =	sor.u32 $0xD0000000, s2;
	s6 =	simm.s32 $0x108;
	_ =	swait.ge @!p0 [sflag:s8], $0x0  }
0x24: {  	s3 =	sadd.s32 $0x88, s3;
	s6 =	simm.s32 @!p1 $0x1082;
	[sflag:s4] =	ssyncset.s32 $0xFFFFF086  }
0x25: {  	[simem:s6], [sflag:s4] =	dma.local [hbm:s3], $0xF7A  }
0x26: {  	[smem:$0x3F99] =	sst s1;
	(tag) =	ssettag s2;
	_ =	strace s9  }
0x27: {  	s1 =	sld [smem:$0x3FA9]  }
0x28: {  	s2 =	sld [smem:$0x3FAA]  }
0x29: {  	s4 =	sld [smem:$0x3FAC]  }
0x2a: {  	p0 =	seq.s32 s5, $0x0;
	s5 =	sld [smem:$0x3FAD]  }
0x2b: {  	s6 =	sld [smem:$0x3FAE]  }
0x2c: {  	s7 =	sld [smem:$0x3FAF]  }
0x2d: {  	s3 =	simm.s32 $0x108;
	s8 =	sld [smem:$0x3FB0]  }
0x2e: {  	s3 =	simm.s32 @!p0 $0x1082;
	s9 =	sld [smem:$0x3FB1]  }
0x2f: {  	lr =	sadd.s32 s0, s3;
	s0 =	sld [smem:$0x3FA8]  }
0x30: {  	s3 =	sld [smem:$0x3FAB]  }
0x31: {  	[smem:$0x3FB4] =	sst s10  }
0x32: {  	s10 =	sld [smem:$0x3FB2];
	_ =	sdelay $0x3  }
0x33: {  	p0 =	seq.s32 s10, $0x1;
	s10 =	sld [smem:$0x3FB4];
	_ =	sdelay $0x3  }
0x34: {  	[smem:$0x3FB4] =	sst s10  }
0x35: {  	s10 =	sld [smem:$0x3FB3];
	_ =	sdelay $0x3  }
0x36: {  	p1 =	seq.s32 s10, $0x1;
	s10 =	sld [smem:$0x3FB4];
	_ =	sdelay $0x3  }
0x37: {  	[smem:$0x3FB4] =	sst s10  }
0x38: {  	s10 =	sld [smem:$0x3FB5]  }
0x39: {  	_ = 	snop;
	(pc) =	sbr.ind lr, $3  }
0x3a: {  	_ = 	snop  }
0x3b: {  	_ = 	snop  }
0x3c: {  	p2 =	seq.s32 s10, $0x1;
	s10 =	sld [smem:$0x3FB4]  }
0x3d: {  	_ =	shalt  }
0x3e: {  	_ =	shalt  }
0x3f: {  	_ =	shalt  }
0x40: {  	_ =	shalt  }
0x41: {  	_ =	shalt  }
0x42: {  	_ =	shalt  }
0x43: {  	_ =	shalt  }
0x44: {  	_ =	shalt  }
0x45: {  	_ =	shalt  }
0x46: {  	_ =	shalt  }
0x47: {  	_ =	shalt  }
0x48: {  	_ =	shalt  }
0x49: {  	_ =	shalt  }
0x4a: {  	_ =	shalt  }
0x4b: {  	_ =	shalt  }
0x4c: {  	_ =	shalt  }
0x4d: {  	_ =	shalt  }
0x4e: {  	_ =	shalt  }
0x4f: {  	_ =	shalt  }
0x50: {  	_ =	shalt  }
0x51: {  	_ =	shalt  }
0x52: {  	_ =	shalt  }
0x53: {  	_ =	shalt  }
0x54: {  	_ =	shalt  }
0x55: {  	_ =	shalt  }
0x56: {  	_ =	shalt  }
0x57: {  	_ =	shalt  }
0x58: {  	_ =	shalt  }
0x59: {  	_ =	shalt  }
0x5a: {  	_ =	shalt  }
0x5b: {  	_ =	shalt  }
0x5c: {  	_ =	shalt  }
0x5d: {  	_ =	shalt  }
0x5e: {  	_ =	shalt  }
0x5f: {  	_ =	shalt  }
0x60: {  	_ =	shalt  }
0x61: {  	_ =	shalt  }
0x62: {  	_ =	shalt  }
0x63: {  	_ =	shalt  }
0x64: {  	_ =	shalt  }
0x65: {  	_ =	shalt  }
0x66: {  	_ =	shalt  }
0x67: {  	_ =	shalt  }
0x68: {  	_ =	shalt  }
0x69: {  	_ =	shalt  }
0x6a: {  	_ =	shalt  }
0x6b: {  	_ =	shalt  }
0x6c: {  	_ =	shalt  }
0x6d: {  	_ =	shalt  }
0x6e: {  	_ =	shalt  }
0x6f: {  	_ =	shalt  }
0x70: {  	_ =	shalt  }
0x71: {  	_ =	shalt  }
0x72: {  	_ =	shalt  }
0x73: {  	_ =	shalt  }
0x74: {  	_ =	shalt  }
0x75: {  	_ =	shalt  }
0x76: {  	_ =	shalt  }
0x77: {  	_ =	shalt  }
0x78: {  	_ =	shalt  }
0x79: {  	_ =	shalt  }
0x7a: {  	_ =	shalt  }
0x7b: {  	_ =	shalt  }
0x7c: {  	_ =	shalt  }
0x7d: {  	_ =	shalt  }
0x7e: {  	_ =	shalt  }
0x7f: {  	_ =	shalt  }
0x80: {  	_ =	shalt  }
0x81: {  	_ =	shalt  }
0x82: {  	_ =	shalt  }
0x83: {  	_ =	shalt  }
0x84: {  	_ =	shalt  }
0x85: {  	_ =	shalt  }
0x86: {  	_ =	shalt  }
0x87: {  	_ =	shalt  }
.Lfunc_end0:
.L_simem_size_0:
called_computation.1_lowered:
.L_overlay_start_0:
0x88: {  	s2 =	sld [smem:$0x3FD9]  }
0x89: {  	s3 =	sld [smem:$0x3FFE];
	_ =	sdelay $0x1  }
0x8a: {  	s1 =	srdreg.scid  }
0x8b: {  	s0 =	sand.u32 $0x1, s1  }
0x8c: {  	s17 =	sshll.u32 s0, $0xA;
	s2 =	sadd.s32 s3, s2  }
0x8d: {  	s2 =	sadd.s32 s2, s17  }
0x8e: {  	[smem:$0x3FC0] =	sst s2  }
0x8f: {  	_ = 	snop  }
0x90: {  	s2 =	sld [smem:$0x3FC8];
	(tm) =	ssettm $0x1  }
0x91: {  	s18 =	sld [smem:$0x3FFB];
	_ =	sdelay $0x3  }
0x92: {  	_ =	strace s18  }
0x93: {  	s3 =	sld [smem:$0x3FFC];
	_ =	sdelay $0x3  }
0x94: {  	_ =	strace s3  }
0x95: {  	s3 =	sld [smem:$0x3FFD];
	_ =	sdelay $0x3  }
0x96: {  	_ =	strace s3  }
0x97: {  	_ =	strace $0x8FFFFFFF  }
0x98: {  	s19 =	sld [smem:$0x3FDB];
	_ =	sdelay $0x1  }
0x99: {  	s4 =	simm.s32 $_scs_section_size  }
0x9a: {  	s5 =	simm.s32 $_size__tile_overlayer_lowered;
	s6 =	simm.s32 $_tile_overlayer_lowered  }
0x9b: {  	s22 =	simm.s32 $0x1BFF;
	s21 =	sshll.u32 s6, $0x1;
	s3 =	sadd.s32 s4, s19  }
0x9c: {  	s7 =	simm.s32 $0x0;
	s20 =	sshll.u32 s5, $0x1;
	s5 =	sadd.s32 s21, s3  }
0x9d: {  	[timem:s7], [sflag:s22] =	dma.local [hbm:s5], s20  }
0x9e: {  	_ =	swait.ge [sflag:s22], s20  }
0x9f: {  	s4 =	ssub.s32 $0x0, s20;
	[sflag:s22] =	ssyncset.done $0x0  }
0xa0: {  	[sflag:s22] =	ssyncadd.s32 s4;
	_ =	sdelay $0x1  }
0xa1: {  	s23 =	simm.s32 $0x1B8B  }
0xa2: {  	_ =	swait.ge [sflag:s23], $0x1  }
0xa3: {  	[sflag:s23] =	ssyncset.done $0x0  }
0xa4: {  	s25 =	simm.s32 $0x1B8E;
	s24 =	sld [smem:$0x3FFE];
	[sflag:s23] =	ssyncadd.s32 $0xFFFFFFFF  }
0xa5: {  	s26 =	simm.s32 $execute0_lowered;
	[smem:$0x3FD2] =	sst s25  }
0xa6: {  	s5 =	sshll.u32 s26, $0x1;
	_ =	strace $0x80000049;
	[dreg:$0x1] =	wrdreg $0xFFFFFFFF  }
0xa7: {  	s28 =	simm.s32 $_size_execute0_lowered;
	s3 =	sadd.s32 s3, s5;
	[dreg:$0x0] =	wrdreg $0x0  }
0xa8: {  	s5 =	sshll.u32 s28, $0x1;
	[dreg:$0x2] =	wrdreg s3  }
0xa9: {  	[dreg:$0x3] =	wrdreg s5  }
0xaa: {  	[dreg:$0x4] =	wrdreg $0xC0  }
0xab: {  	_ =	task [dreg:s7], $0x5FFFF  }
0xac: {  	[dreg:$0x1] =	wrdreg $0xFFFFFFFF  }
0xad: {  	[dreg:$0x0] =	wrdreg $0x60  }
0xae: {  	[dreg:$0x2] =	wrdreg s2  }
0xaf: {  	[dreg:$0x3] =	wrdreg s24  }
0xb0: {  	[dreg:$0x4] =	wrdreg $0x9  }
0xb1: {  	_ =	task.clear_ibuf [dreg:s7], $0x5FFFF;
	_ =	strace $0x90000049  }
0xb2: {  	s29 =	simm.s32 $0x9;
	_ =	strace $0x8000004B  }
0xb3: {  	_ =	swait.ge [sflag:s29], $0x1  }
0xb4: {  	[sflag:s29] =	ssyncadd.s32 $0xFFFFFFFF  }
0xb5: {  	_ =	strace $0x9000004B  }
0xb6: {  	_ =	sfence  }
0xb7: {  	s30 =	sld [smem:$0x0];
	_ =	sdelay $0x2  }
0xb8: {  	s31 =	sshll.u32 s1, $0xD;
	s1 =	sshrl.u32 s1, $0x2  }
0xb9: {  	s3 =	sand.u32 $0x4000, s31;
	s1 =	sadd.s32 s1, s30  }
0xba: {  	s0 =	sor.u32 s3, s0;
	s1 =	sshll.u32 s1, $0x11  }
0xbb: {  	s0 =	sor.u32 s1, s0  }
0xbc: {  	s0 =	sadd.s32 $0x8F2B, s0  }
0xbd: {  	[sflag:s0] =	ssyncadd.remote.s32 $0x1  }
0xbe: {  	_ =	sfence.sel $0xFFFF  }
0xbf: {  	[dreg:$0x0] =	wrdreg $0xFFFFFFFF;
	(pc) =	sbr.abs _section_cstart, $3  }
0xc0: {  	[dreg:$0x1] =	wrdreg $0xFFFFFFFF  }
0xc1: {  	_ =	task.clear_ibuf [dreg:s7], $0x2FFFF;
	_ =	strace $0x9FFFFFFF  }
0xc2: {  	(tm) =	ssettm $0x7FFFFFFF  }
0xc3: {  	_ =	shalt  }
tec
execute0_lowered:
.L_overlay_start_1:
0x0: {  	(tag) =	ssettag $0x1  }
0x1: {  	s0 =	rddreg [dreg:$0x0]  }
0x2: {  	s2 =	rddreg [dreg:$0x1]  }
0x3: {  	s1 =	simm.s32 $0x0;
	s3 =	srdreg.scid;
	s11 =	stileid.u32  }
0x4: {  	s28 =	simm.s32 $0x11700;
	s30 =	simm.s32 $0x3;
	s31 =	simm.s32 $0x80  }
0x5: {  	[smem:$0x7FF] =	sst s1;
	s4 =	sadd.s32 $0xC400, s2;
	s3 =	sand.u32 $0x1, s3  }
0x6: {  	s20 =	sadd.s32 $0xCA00, s2;
	s5 =	sadd.s32 $0x2400, s2;
	s2 =	sadd.s32 $0xD000, s2  }
0x7: {  	s9 =	sshll.u32 s11, $0x5;
	_ =	strace $0x8000004A;
	[dreg:$0x3] =	wrdreg s4  }
0x8: {  	s10 =	sshll.u32 s11, $0x7;
	s26 =	smul.u32 $0x500, s11;
	[dreg:$0x4] =	wrdreg s20  }
0x9: {  	s21 =	sshll.u32 s3, $0x4;
	[dreg:$0x5] =	wrdreg s5;
	s22 =	ssub.s32 $0x2, s3  }
0xa: {  	s23 =	sand.u32 $0x380, s10;
	s3 =	smul.u32 $0x5000, s3;
	s4 =	sor.u32 s11, s21  }
0xb: {  	s20 =	simm.s32 $0x4F00;
	s6 =	sshrl.u32 s22, $0x1;
	s7 =	smul.u32 $0x9C0, s4  }
0xc: {  	s21 =	simm.s32 $0x7700;
	s5 =	ssub.s32 s22, s6;
	s6 =	smul.u32 $0x140, s4  }
0xd: {  	s8 =	sshrl.u32 s4, $0x3;
	s29 =	sshrl.u32 s3, $0x2;
	s22 =	simm.s32 $0x9F00  }
0xe: {  	p0 =	slt.u32 s4, $0x4;
	s8 =	smul.u32 $0x14000, s8;
	s13 =	smax.u32 s5, $0x1  }
0xf: {  	s15 =	sadd.s32 $0xEF30, s29;
	s7 =	sadd.s32 s0, s7;
	s0 =	sadd.s32 s9, s0  }
0x10: {  	s16 =	sadd.s32 $0xC730, s29;
	s0 =	sadd.s32 $0x13800, s0;
	s24 =	sor.u32 s23, s8  }
0x11: {  	s17 =	sadd.s32 $0x7730, s29;
	[dreg:$0x7] =	wrdreg s0;
	s0 =	sadd.s32 $0xA0000, s24  }
0x12: {  	s18 =	sadd.s32 $0x4F30, s29;
	s19 =	sadd.s32 $0x9F30, s29;
	s0 =	sshrl.u32 s0, $0x3  }
0x13: {  	s9 =	sadd.s32 $0x140, s6;
	s12 =	sadd.s32 s2, s0;
	s0 =	sshrl.u32 s26, $0x2  }
0x14: {  	[dreg:$0x6] =	wrdreg s7;
	s7 =	sshrl.u32 s24, $0x3;
	s8 =	sadd.s32 $0x50000, s24;
	v0 =	vmov s0  }
0x15: {  	s23 =	simm.s32 $0x1;
	s8 =	sshrl.u32 s8, $0x3;
	s7 =	sadd.s32 s2, s7  }
0x16: {  	s24 =	simm.s32 $0x2;
	[dreg:$0x8] =	wrdreg s7;
	s25 =	sadd.s32 s2, s8  }
0x17: {  	s7 =	sadd.s32 $0x11720, s29;
	s26 =	simm.s32 $0xEF00;
	s2 =	simm.s32 $0x0  }
0x18: {  	v1 =	vimm.f32 $0.0e+00;
	[dreg:$0x9] =	wrdreg s25;
	s25 =	simm.s32 $0xC700;
	s0 =	simm.s32 $0x400  }
.LBB2_1:
0x19: {  	s3 =	rddreg [dreg:$0x6]  }
0x1a: {  	[tilespmem:s1], [sflag:$0x1] =	stream.linear.gather [hbm4b:s3+s1], $0x4E00, $0x38;
	[tilespmem:$0x13F00] =	vst v63  }
0x1b: {  	s11 =	rddreg [dreg:$0x3]  }
0x1c: {  	[tilespmem:s20], [sflag:$0x2] =	stream.linear.gather [hbm4b:s11+s1], $0x2800, $0x38;
	[tilespmem:$0x13F00] =	vst v63  }
0x1d: {  	s14 =	rddreg [dreg:$0x4]  }
0x1e: {  	[tilespmem:s21], [sflag:$0x2] =	stream.linear.gather [hbm4b:s14+s1], $0x2800, $0x38;
	[tilespmem:$0x13F00] =	vst v63  }
0x1f: {  	s29 =	rddreg [dreg:$0x5];
	s3 =	simm.s32 $0xC740  }
0x20: {  	[tilespmem:s22], [sflag:$0x2] =	stream.linear.gather [hbm4b:s29+s1], $0x2800, $0x38;
	[tilespmem:$0x13F00] =	vst v63  }
0x21: {  	[tilespmem:s3+$0xFFFFFFD0] =	vst v1  }
0x22: {  	[tilespmem:s3+$0x0] =	vst v1  }
0x23: {  	[tilespmem:s3+$0xFFFFFFC0] =	vst v1  }
0x24: {  	[tilespmem:s3+$0x30] =	vst v1  }
0x25: {  	[tilespmem:s3+$0xFFFFFFF0] =	vst v1  }
0x26: {  	[tilespmem:s3+$0xFFFFFFE0] =	vst v1  }
0x27: {  	[tilespmem:s3+$0x10] =	vst v1  }
0x28: {  	s5 =	simm.s32 $0xEF40;
	[tilespmem:s3+$0x20] =	vst v1  }
0x29: {  	[tilespmem:s5+$0xFFFFFFC0] =	vst v1  }
0x2a: {  	[tilespmem:s5+$0x30] =	vst v1  }
0x2b: {  	[tilespmem:s5+$0x0] =	vst v1  }
0x2c: {  	[tilespmem:s5+$0x20] =	vst v1  }
0x2d: {  	[tilespmem:s5+$0x10] =	vst v1  }
0x2e: {  	[tilespmem:s5+$0xFFFFFFD0] =	vst v1  }
0x2f: {  	[tilespmem:s5+$0xFFFFFFE0] =	vst v1  }
0x30: {  	s4 =	simm.s32 $0x11740;
	[tilespmem:s5+$0xFFFFFFF0] =	vst v1  }
0x31: {  	[tilespmem:s4+$0xFFFFFFC0] =	vst v1  }
0x32: {  	[tilespmem:s4+$0x30] =	vst v1  }
0x33: {  	[tilespmem:s4+$0x20] =	vst v1  }
0x34: {  	[tilespmem:s4+$0x10] =	vst v1  }
0x35: {  	s8 =	simm.s32 $0x0;
	s10 =	simm.s32 $0x117C0;
	[tilespmem:s4+$0xFFFFFFD0] =	vst v1  }
.LBB2_2:
0x36: {  	s8 =	sadd.s32 $0x80, s8;
	[tilespmem:s4+$0xFFFFFFE0] =	vst v1;
	s3 =	sadd.s32 $0x80, s3;
	s5 =	sadd.s32 $0x80, s5  }
0x37: {  	p1 =	slt.u32 s8, $0x2780;
	[tilespmem:s4+$0x0] =	vst v1  }
0x38: {  	[tilespmem:s4+$0xFFFFFFF0] =	vst v1;
	s4 =	smov.u32 s10  }
0x39: {  	[tilespmem:s3+$0xFFFFFFD0] =	vst v1  }
0x3a: {  	[tilespmem:s3+$0x0] =	vst v1  }
0x3b: {  	[tilespmem:s3+$0xFFFFFFC0] =	vst v1  }
0x3c: {  	[tilespmem:s5+$0xFFFFFFC0] =	vst v1  }
0x3d: {  	[tilespmem:s10+$0xFFFFFFC0] =	vst v1  }
0x3e: {  	[tilespmem:s3+$0x30] =	vst v1  }
0x3f: {  	[tilespmem:s5+$0x30] =	vst v1  }
0x40: {  	[tilespmem:s10+$0x30] =	vst v1  }
0x41: {  	[tilespmem:s5+$0x0] =	vst v1  }
0x42: {  	[tilespmem:s3+$0xFFFFFFF0] =	vst v1  }
0x43: {  	[tilespmem:s3+$0xFFFFFFE0] =	vst v1  }
0x44: {  	[tilespmem:s3+$0x10] =	vst v1  }
0x45: {  	[tilespmem:s3+$0x20] =	vst v1  }
0x46: {  	[tilespmem:s5+$0x20] =	vst v1  }
0x47: {  	[tilespmem:s10+$0x20] =	vst v1  }
0x48: {  	[tilespmem:s5+$0x10] =	vst v1  }
.Ltmp0:
0x49: {  	[tilespmem:s10+$0x10] =	vst v1;
	(pc) =	sbr.rel @p1 .LBB2_2-.Ltmp0, $4  }
0x4a: {  	[tilespmem:s5+$0xFFFFFFD0] =	vst v1  }
0x4b: {  	[tilespmem:s5+$0xFFFFFFE0] =	vst v1  }
0x4c: {  	[tilespmem:s10+$0xFFFFFFD0] =	vst v1  }
0x4d: {  	s10 =	sadd.s32 $0x80, s10;
	[tilespmem:s5+$0xFFFFFFF0] =	vst v1  }
0x4e: {  	[tilespmem:s4+$0xFFFFFFE0] =	vst v1  }
0x4f: {  	[tilespmem:s4+$0x0] =	vst v1  }
0x50: {  	[tilespmem:s4+$0xFFFFFFF0] =	vst v1  }
0x51: {  	_ =	swait.ge [sflag:s23], $0x4E00  }
0x52: {  	[sflag:s23] =	ssyncset.done $0x0  }
0x53: {  	[sflag:s23] =	ssyncadd.s32 $0xFFFFB200  }
0x54: {  	_ =	swait.ge [sflag:s24], $0x2800  }
0x55: {  	[sflag:s24] =	ssyncset.done $0x0  }
0x56: {  	[sflag:s24] =	ssyncadd.s32 $0xFFFFD800  }
0x57: {  	_ =	swait.ge [sflag:s24], $0x2800  }
0x58: {  	[sflag:s24] =	ssyncset.done $0x0  }
0x59: {  	[sflag:s24] =	ssyncadd.s32 $0xFFFFD800  }
0x5a: {  	_ =	swait.ge [sflag:s24], $0x2800  }
0x5b: {  	[sflag:s24] =	ssyncset.done $0x0  }
0x5c: {  	s29 =	simm.s32 $0xFFFFFF00;
	s8 =	simm.s32 $0x100;
	[sflag:s24] =	ssyncadd.s32 $0xFFFFD800  }
.LBB2_4:
0x5d: {  	v2 =	vld [tilespmem:s8+$0xFFFFFF00]  }
0x5e: {  	v3 =	vld [tilespmem:s8+$0xFFFFFF80]  }
0x5f: {  	v7 =	vld [tilespmem:s8+$0xFFFFFF10]  }
0x60: {  	v52 =	vld [tilespmem:s8+$0xFFFFFF90]  }
0x61: {  	v53 =	vld [tilespmem:s8+$0xFFFFFF20]  }
0x62: {  	v55 =	vld [tilespmem:s8+$0xFFFFFFA0]  }
0x63: {  	v56 =	vld [tilespmem:s8+$0xFFFFFF30]  }
0x64: {  	v58 =	vld [tilespmem:s8+$0xFFFFFFB0]  }
0x65: {  	v62 =	vld [tilespmem:s8+$0xFFFFFF40]  }
0x66: {  	v63 =	vld [tilespmem:s8+$0xFFFFFFC0]  }
0x67: {  	v12 =	vld [tilespmem:s8+$0xFFFFFF50]  }
0x68: {  	v15 =	vld [tilespmem:s8+$0xFFFFFFD0]  }
0x69: {  	v18 =	vld [tilespmem:s8+$0xFFFFFF60]  }
0x6a: {  	v20 =	vld [tilespmem:s8+$0xFFFFFF70]  }
0x6b: {  	v23 =	vld [tilespmem:s8+$0xFFFFFFF0]  }
0x6c: {  	v27 =	vld [tilespmem:s8+$0x0]  }
0x6d: {  	v29 =	vld [tilespmem:s8+$0x80]  }
0x6e: {  	v33 =	vld [tilespmem:s8+$0x10]  }
0x6f: {  	v34 =	vld [tilespmem:s8+$0x90]  }
0x70: {  	v35 =	vld [tilespmem:s8+$0x20]  }
0x71: {  	v4 =	vld.idx.msk [tilespmem:v2+s22+$0x0], $0xffff  }
0x72: {  	v5 =	vld.idx.msk [tilespmem:v2+s20+$0x0], $0xffff  }
0x73: {  	v6 =	vld.idx.msk [tilespmem:v2+s21+$0x0], $0xffff  }
0x74: {  	v38 =	vld [tilespmem:s8+$0xA0]  }
0x75: {  	v41 =	vld [tilespmem:s8+$0x30]  }
0x76: {  	v43 =	vld [tilespmem:s8+$0x40]  }
0x77: {  	v8 =	vld.idx.msk [tilespmem:v3+s22+$0x0], $0xffff;
	v5 =	vmul.f32 v5, v4  }
0x78: {  	v46 =	vld [tilespmem:s8+$0xC0];
	v4 =	vmul.f32 v6, v4  }
0x79: {  	[tilespmem:v3+s25+$0x0] =	vst.idx.add.f32.msk $0xffff, v5  }
0x7a: {  	[tilespmem:v3+s26+$0x0] =	vst.idx.add.f32.msk $0xffff, v4  }
0x7b: {  	v3 =	vld.idx.msk [tilespmem:v7+s20+$0x0], $0xffff  }
0x7c: {  	[tilespmem:v2+s28+$0x0] =	vst.idx.add.f32.msk $0xffff, v8  }
0x7d: {  	v2 =	vld.idx.msk [tilespmem:v7+s22+$0x0], $0xffff  }
0x7e: {  	v50 =	vld [tilespmem:s8+$0x50]  }
0x7f: {  	v54 =	vld.idx.msk [tilespmem:v7+s21+$0x0], $0xffff  }
0x80: {  	v9 =	vld.idx.msk [tilespmem:v52+s22+$0x0], $0xffff  }
0x81: {  	v10 =	vld.idx.msk [tilespmem:v53+s22+$0x0], $0xffff  }
0x82: {  	v11 =	vld.idx.msk [tilespmem:v53+s20+$0x0], $0xffff;
	v3 =	vmul.f32 v3, v2  }
0x83: {  	v59 =	vld.idx.msk [tilespmem:v56+s22+$0x0], $0xffff  }
0x84: {  	[tilespmem:v52+s25+$0x0] =	vst.idx.add.f32.msk $0xffff, v3  }
0x85: {  	v2 =	vmul.f32 v54, v2;
	v3 =	vld.idx.msk [tilespmem:v53+s21+$0x0], $0xffff  }
0x86: {  	v60 =	vld.idx.msk [tilespmem:v56+s20+$0x0], $0xffff  }
0x87: {  	[tilespmem:v52+s26+$0x0] =	vst.idx.add.f32.msk $0xffff, v2  }
0x88: {  	v2 =	vld.idx.msk [tilespmem:v55+s22+$0x0], $0xffff  }
0x89: {  	v61 =	vld.idx.msk [tilespmem:v56+s21+$0x0], $0xffff;
	v57 =	vmul.f32 v11, v10  }
0x8a: {  	v13 =	vld.idx.msk [tilespmem:v62+s20+$0x0], $0xffff;
	v3 =	vmul.f32 v3, v10  }
0x8b: {  	[tilespmem:v55+s25+$0x0] =	vst.idx.add.f32.msk $0xffff, v57  }
0x8c: {  	[tilespmem:v55+s26+$0x0] =	vst.idx.add.f32.msk $0xffff, v3  }
0x8d: {  	v3 =	vmul.f32 v60, v59;
	[tilespmem:v53+s28+$0x0] =	vst.idx.add.f32.msk $0xffff, v2  }
0x8e: {  	v2 =	vld.idx.msk [tilespmem:v58+s22+$0x0], $0xffff  }
0x8f: {  	[tilespmem:v58+s25+$0x0] =	vst.idx.add.f32.msk $0xffff, v3;
	v3 =	vmul.f32 v61, v59  }
0x90: {  	v14 =	vld.idx.msk [tilespmem:v62+s21+$0x0], $0xffff  }
0x91: {  	[tilespmem:v58+s26+$0x0] =	vst.idx.add.f32.msk $0xffff, v3  }
0x92: {  	v3 =	vld.idx.msk [tilespmem:v62+s22+$0x0], $0xffff  }
0x93: {  	v16 =	vld.idx.msk [tilespmem:v12+s22+$0x0], $0xffff  }
0x94: {  	v17 =	vld.idx.msk [tilespmem:v12+s20+$0x0], $0xffff  }
0x95: {  	v19 =	vld.idx.msk [tilespmem:v15+s22+$0x0], $0xffff  }
0x96: {  	[tilespmem:v7+s28+$0x0] =	vst.idx.add.f32.msk $0xffff, v9  }
0x97: {  	[tilespmem:v56+s28+$0x0] =	vst.idx.add.f32.msk $0xffff, v2;
	v7 =	vmul.f32 v13, v3  }
0x98: {  	v2 =	vld.idx.msk [tilespmem:v63+s22+$0x0], $0xffff;
	v3 =	vmul.f32 v14, v3  }
0x99: {  	[tilespmem:v63+s25+$0x0] =	vst.idx.add.f32.msk $0xffff, v7  }
0x9a: {  	[tilespmem:v63+s26+$0x0] =	vst.idx.add.f32.msk $0xffff, v3  }
0x9b: {  	v3 =	vld.idx.msk [tilespmem:v12+s21+$0x0], $0xffff  }
0x9c: {  	v21 =	vld.idx.msk [tilespmem:v18+s20+$0x0], $0xffff  }
0x9d: {  	v22 =	vld.idx.msk [tilespmem:v18+s21+$0x0], $0xffff  }
0x9e: {  	[tilespmem:v62+s28+$0x0] =	vst.idx.add.f32.msk $0xffff, v2;
	v2 =	vmul.f32 v17, v16  }
0x9f: {  	v25 =	vld.idx.msk [tilespmem:v20+s22+$0x0], $0xffff  }
0xa0: {  	[tilespmem:v15+s25+$0x0] =	vst.idx.add.f32.msk $0xffff, v2;
	v2 =	vmul.f32 v3, v16  }
0xa1: {  	v3 =	vld [tilespmem:s8+$0xFFFFFFE0]  }
0xa2: {  	[tilespmem:v15+s26+$0x0] =	vst.idx.add.f32.msk $0xffff, v2  }
0xa3: {  	v2 =	vld.idx.msk [tilespmem:v18+s22+$0x0], $0xffff  }
0xa4: {  	v26 =	vld.idx.msk [tilespmem:v20+s20+$0x0], $0xffff  }
0xa5: {  	v30 =	vld.idx.msk [tilespmem:v27+s22+$0x0], $0xffff  }
0xa6: {  	v31 =	vld.idx.msk [tilespmem:v27+s20+$0x0], $0xffff  }
0xa7: {  	v32 =	vld.idx.msk [tilespmem:v27+s21+$0x0], $0xffff  }
0xa8: {  	v36 =	vld.idx.msk [tilespmem:v33+s20+$0x0], $0xffff;
	v4 =	vmul.f32 v21, v2  }
0xa9: {  	v2 =	vmul.f32 v22, v2;
	v24 =	vld.idx.msk [tilespmem:v3+s22+$0x0], $0xffff  }
0xaa: {  	[tilespmem:v3+s25+$0x0] =	vst.idx.add.f32.msk $0xffff, v4  }
0xab: {  	[tilespmem:v3+s26+$0x0] =	vst.idx.add.f32.msk $0xffff, v2  }
0xac: {  	v3 =	vld.idx.msk [tilespmem:v20+s21+$0x0], $0xffff  }
0xad: {  	v37 =	vld.idx.msk [tilespmem:v33+s21+$0x0], $0xffff  }
0xae: {  	v39 =	vld.idx.msk [tilespmem:v35+s22+$0x0], $0xffff  }
0xaf: {  	v2 =	vld.idx.msk [tilespmem:v23+s22+$0x0], $0xffff  }
0xb0: {  	v40 =	vld.idx.msk [tilespmem:v35+s20+$0x0], $0xffff;
	v28 =	vmul.f32 v26, v25  }
0xb1: {  	v42 =	vld.idx.msk [tilespmem:v38+s22+$0x0], $0xffff;
	v3 =	vmul.f32 v3, v25  }
0xb2: {  	[tilespmem:v23+s25+$0x0] =	vst.idx.add.f32.msk $0xffff, v28  }
0xb3: {  	[tilespmem:v23+s26+$0x0] =	vst.idx.add.f32.msk $0xffff, v3  }
0xb4: {  	v3 =	vmul.f32 v31, v30;
	[tilespmem:v20+s28+$0x0] =	vst.idx.add.f32.msk $0xffff, v2  }
0xb5: {  	v2 =	vld.idx.msk [tilespmem:v29+s22+$0x0], $0xffff  }
0xb6: {  	[tilespmem:v29+s25+$0x0] =	vst.idx.add.f32.msk $0xffff, v3;
	v3 =	vmul.f32 v32, v30  }
0xb7: {  	v44 =	vld.idx.msk [tilespmem:v41+s20+$0x0], $0xffff  }
0xb8: {  	[tilespmem:v29+s26+$0x0] =	vst.idx.add.f32.msk $0xffff, v3  }
0xb9: {  	v3 =	vld.idx.msk [tilespmem:v33+s22+$0x0], $0xffff  }
0xba: {  	v45 =	vld.idx.msk [tilespmem:v41+s21+$0x0], $0xffff  }
0xbb: {  	v48 =	vld.idx.msk [tilespmem:v43+s22+$0x0], $0xffff  }
0xbc: {  	v49 =	vld.idx.msk [tilespmem:v43+s20+$0x0], $0xffff  }
0xbd: {  	v51 =	vld.idx.msk [tilespmem:v43+s21+$0x0], $0xffff  }
0xbe: {  	[tilespmem:v27+s28+$0x0] =	vst.idx.add.f32.msk $0xffff, v2;
	v6 =	vmul.f32 v36, v3  }
0xbf: {  	v2 =	vld.idx.msk [tilespmem:v34+s22+$0x0], $0xffff;
	v3 =	vmul.f32 v37, v3  }
0xc0: {  	[tilespmem:v34+s25+$0x0] =	vst.idx.add.f32.msk $0xffff, v6  }
0xc1: {  	[tilespmem:v34+s26+$0x0] =	vst.idx.add.f32.msk $0xffff, v3  }
0xc2: {  	v3 =	vld.idx.msk [tilespmem:v35+s21+$0x0], $0xffff  }
0xc3: {  	v54 =	vld.idx.msk [tilespmem:v50+s21+$0x0], $0xffff  }
0xc4: {  	v55 =	vld [tilespmem:s8+$0x60]  }
0xc5: {  	[tilespmem:v33+s28+$0x0] =	vst.idx.add.f32.msk $0xffff, v2;
	v2 =	vmul.f32 v40, v39  }
0xc6: {  	v58 =	vld [tilespmem:s8+$0x70]  }
0xc7: {  	[tilespmem:v38+s25+$0x0] =	vst.idx.add.f32.msk $0xffff, v2;
	v2 =	vmul.f32 v3, v39  }
0xc8: {  	v3 =	vld [tilespmem:s8+$0xB0]  }
0xc9: {  	[tilespmem:v38+s26+$0x0] =	vst.idx.add.f32.msk $0xffff, v2  }
0xca: {  	v2 =	vld.idx.msk [tilespmem:v41+s22+$0x0], $0xffff  }
0xcb: {  	v52 =	vld.idx.msk [tilespmem:v50+s22+$0x0], $0xffff  }
0xcc: {  	v60 =	vld [tilespmem:s8+$0xF0]  }
0xcd: {  	v53 =	vld.idx.msk [tilespmem:v50+s20+$0x0], $0xffff  }
0xce: {  	v59 =	vld.idx.msk [tilespmem:v55+s20+$0x0], $0xffff  }
0xcf: {  	v13 =	vld.idx.msk [tilespmem:v58+s20+$0x0], $0xffff;
	v4 =	vmul.f32 v44, v2  }
0xd0: {  	v2 =	vmul.f32 v45, v2;
	v47 =	vld.idx.msk [tilespmem:v3+s22+$0x0], $0xffff  }
0xd1: {  	[tilespmem:v3+s25+$0x0] =	vst.idx.add.f32.msk $0xffff, v4  }
0xd2: {  	[tilespmem:v3+s26+$0x0] =	vst.idx.add.f32.msk $0xffff, v2;
	v3 =	vmul.f32 v49, v48  }
0xd3: {  	v2 =	vld.idx.msk [tilespmem:v46+s22+$0x0], $0xffff  }
0xd4: {  	[tilespmem:v46+s25+$0x0] =	vst.idx.add.f32.msk $0xffff, v3  }
0xd5: {  	v3 =	vld [tilespmem:s8+$0xD0]  }
0xd6: {  	v14 =	vld.idx.msk [tilespmem:v58+s21+$0x0], $0xffff  }
0xd7: {  	v63 =	vld.idx.msk [tilespmem:v60+s22+$0x0], $0xffff  }
0xd8: {  	v62 =	vld.idx.msk [tilespmem:v55+s21+$0x0], $0xffff;
	v4 =	vmul.f32 v51, v48  }
0xd9: {  	[tilespmem:v12+s28+$0x0] =	vst.idx.add.f32.msk $0xffff, v19  }
0xda: {  	[tilespmem:v46+s26+$0x0] =	vst.idx.add.f32.msk $0xffff, v4  }
0xdb: {  	[tilespmem:v43+s28+$0x0] =	vst.idx.add.f32.msk $0xffff, v2  }
0xdc: {  	v57 =	vmul.f32 v53, v52;
	v2 =	vld [tilespmem:s8+$0xE0]  }
0xdd: {  	v6 =	vmul.f32 v54, v52;
	v56 =	vld.idx.msk [tilespmem:v3+s22+$0x0], $0xffff  }
0xde: {  	[tilespmem:v3+s25+$0x0] =	vst.idx.add.f32.msk $0xffff, v57  }
0xdf: {  	[tilespmem:v3+s26+$0x0] =	vst.idx.add.f32.msk $0xffff, v6  }
0xe0: {  	v3 =	vld.idx.msk [tilespmem:v55+s22+$0x0], $0xffff  }
0xe1: {  	v12 =	vld.idx.msk [tilespmem:v58+s22+$0x0], $0xffff  }
0xe2: {  	[tilespmem:v18+s28+$0x0] =	vst.idx.add.f32.msk $0xffff, v24  }
0xe3: {  	[tilespmem:v35+s28+$0x0] =	vst.idx.add.f32.msk $0xffff, v42  }
0xe4: {  	v61 =	vld.idx.msk [tilespmem:v2+s22+$0x0], $0xffff  }
0xe5: {  	[tilespmem:v41+s28+$0x0] =	vst.idx.add.f32.msk $0xffff, v47;
	v6 =	vmul.f32 v59, v3  }
0xe6: {  	s29 =	sadd.s32 $0x100, s29;
	[tilespmem:v50+s28+$0x0] =	vst.idx.add.f32.msk $0xffff, v56;
	v3 =	vmul.f32 v62, v3  }
0xe7: {  	p1 =	slt.u32 s29, $0x2600;
	[tilespmem:v2+s25+$0x0] =	vst.idx.add.f32.msk $0xffff, v6  }
.Ltmp1:
0xe8: {  	[tilespmem:v2+s26+$0x0] =	vst.idx.add.f32.msk $0xffff, v3;
	v2 =	vmul.f32 v13, v12;
	(pc) =	sbr.rel @p1 .LBB2_4-.Ltmp1, $4  }
0xe9: {  	v3 =	vmul.f32 v14, v12;
	[tilespmem:v55+s28+$0x0] =	vst.idx.add.f32.msk $0xffff, v61  }
0xea: {  	[tilespmem:v60+s25+$0x0] =	vst.idx.add.f32.msk $0xffff, v2  }
0xeb: {  	[tilespmem:v60+s26+$0x0] =	vst.idx.add.f32.msk $0xffff, v3  }
0xec: {  	s8 =	sadd.s32 $0x200, s8;
	[tilespmem:v58+s28+$0x0] =	vst.idx.add.f32.msk $0xffff, v63  }
.Ltmp2:
0xed: {  	(pc) =	sbr.rel @!p0 .LBB2_7-.Ltmp2, $1  }
0xee: {  	_ =	sdelay $0x3  }
0xef: {  	s3 =	rddreg [dreg:$0x7];
	s4 =	simm.s32 $0x4E00  }
0xf0: {  	[tilespmem:s4], [sflag:$0x3] =	stream.linear.gather [hbm4b:s3+s1], $0x100, $0x38;
	[tilespmem:$0x13F00] =	vst v63  }
0xf1: {  	_ =	swait.ge [sflag:s30], $0x100  }
0xf2: {  	[sflag:s30] =	ssyncset.done $0x0  }
0xf3: {  	[sflag:s30] =	ssyncadd.s32 $0xFFFFFF00  }
0xf4: {  	v2 =	vld [tilespmem:$0x4E00];
	_ =	sdelay $0x4  }
0xf5: {  	v3 =	vld [tilespmem:$0x4E80];
	_ =	sdelay $0x2  }
0xf6: {  	v4 =	vld.idx.msk [tilespmem:v2+s22+$0x0], $0xffff  }
0xf7: {  	v5 =	vld.idx.msk [tilespmem:v2+s20+$0x0], $0xffff  }
0xf8: {  	v6 =	vld.idx.msk [tilespmem:v2+s21+$0x0], $0xffff;
	_ =	sdelay $0x2  }
0xf9: {  	v7 =	vld.idx.msk [tilespmem:v3+s22+$0x0], $0xffff  }
0xfa: {  	v5 =	vmul.f32 v5, v4  }
0xfb: {  	v4 =	vmul.f32 v6, v4  }
0xfc: {  	[tilespmem:v3+s25+$0x0] =	vst.idx.add.f32.msk $0xffff, v5  }
0xfd: {  	[tilespmem:v3+s26+$0x0] =	vst.idx.add.f32.msk $0xffff, v4  }
0xfe: {  	[tilespmem:v2+s28+$0x0] =	vst.idx.add.f32.msk $0xffff, v7  }
0xff: {  	v2 =	vld [tilespmem:$0x4E10];
	_ =	sdelay $0x4  }
0x100: {  	v3 =	vld [tilespmem:$0x4E90];
	_ =	sdelay $0x2  }
0x101: {  	v4 =	vld.idx.msk [tilespmem:v2+s22+$0x0], $0xffff  }
0x102: {  	v5 =	vld.idx.msk [tilespmem:v2+s20+$0x0], $0xffff  }
0x103: {  	v57 =	vld.idx.msk [tilespmem:v2+s21+$0x0], $0xffff;
	_ =	sdelay $0x2  }
0x104: {  	v7 =	vld.idx.msk [tilespmem:v3+s22+$0x0], $0xffff  }
0x105: {  	v5 =	vmul.f32 v5, v4  }
0x106: {  	v4 =	vmul.f32 v57, v4  }
0x107: {  	[tilespmem:v3+s25+$0x0] =	vst.idx.add.f32.msk $0xffff, v5  }
0x108: {  	[tilespmem:v3+s26+$0x0] =	vst.idx.add.f32.msk $0xffff, v4  }
0x109: {  	[tilespmem:v2+s28+$0x0] =	vst.idx.add.f32.msk $0xffff, v7  }
0x10a: {  	v2 =	vld [tilespmem:$0x4E20];
	_ =	sdelay $0x4  }
0x10b: {  	v3 =	vld [tilespmem:$0x4EA0];
	_ =	sdelay $0x2  }
0x10c: {  	v4 =	vld.idx.msk [tilespmem:v2+s22+$0x0], $0xffff  }
0x10d: {  	v5 =	vld.idx.msk [tilespmem:v2+s20+$0x0], $0xffff  }
0x10e: {  	v58 =	vld.idx.msk [tilespmem:v2+s21+$0x0], $0xffff;
	_ =	sdelay $0x2  }
0x10f: {  	v7 =	vld.idx.msk [tilespmem:v3+s22+$0x0], $0xffff  }
0x110: {  	v5 =	vmul.f32 v5, v4  }
0x111: {  	v4 =	vmul.f32 v58, v4  }
0x112: {  	[tilespmem:v3+s25+$0x0] =	vst.idx.add.f32.msk $0xffff, v5  }
0x113: {  	[tilespmem:v3+s26+$0x0] =	vst.idx.add.f32.msk $0xffff, v4  }
0x114: {  	[tilespmem:v2+s28+$0x0] =	vst.idx.add.f32.msk $0xffff, v7  }
0x115: {  	v2 =	vld [tilespmem:$0x4E30];
	_ =	sdelay $0x4  }
0x116: {  	v3 =	vld [tilespmem:$0x4EB0];
	_ =	sdelay $0x2  }
0x117: {  	v4 =	vld.idx.msk [tilespmem:v2+s22+$0x0], $0xffff  }
0x118: {  	v5 =	vld.idx.msk [tilespmem:v2+s20+$0x0], $0xffff  }
0x119: {  	v59 =	vld.idx.msk [tilespmem:v2+s21+$0x0], $0xffff;
	_ =	sdelay $0x2  }
0x11a: {  	v7 =	vld.idx.msk [tilespmem:v3+s22+$0x0], $0xffff  }
0x11b: {  	v5 =	vmul.f32 v5, v4  }
0x11c: {  	v4 =	vmul.f32 v59, v4  }
0x11d: {  	[tilespmem:v3+s25+$0x0] =	vst.idx.add.f32.msk $0xffff, v5  }
0x11e: {  	[tilespmem:v3+s26+$0x0] =	vst.idx.add.f32.msk $0xffff, v4  }
0x11f: {  	[tilespmem:v2+s28+$0x0] =	vst.idx.add.f32.msk $0xffff, v7  }
0x120: {  	v2 =	vld [tilespmem:$0x4E40];
	_ =	sdelay $0x4  }
0x121: {  	v3 =	vld [tilespmem:$0x4EC0];
	_ =	sdelay $0x2  }
0x122: {  	v4 =	vld.idx.msk [tilespmem:v2+s22+$0x0], $0xffff  }
0x123: {  	v5 =	vld.idx.msk [tilespmem:v2+s20+$0x0], $0xffff  }
0x124: {  	v60 =	vld.idx.msk [tilespmem:v2+s21+$0x0], $0xffff;
	_ =	sdelay $0x2  }
0x125: {  	v7 =	vld.idx.msk [tilespmem:v3+s22+$0x0], $0xffff  }
0x126: {  	v5 =	vmul.f32 v5, v4  }
0x127: {  	v4 =	vmul.f32 v60, v4  }
0x128: {  	[tilespmem:v3+s25+$0x0] =	vst.idx.add.f32.msk $0xffff, v5  }
0x129: {  	[tilespmem:v3+s26+$0x0] =	vst.idx.add.f32.msk $0xffff, v4  }
0x12a: {  	[tilespmem:v2+s28+$0x0] =	vst.idx.add.f32.msk $0xffff, v7  }
0x12b: {  	v2 =	vld [tilespmem:$0x4E50];
	_ =	sdelay $0x4  }
0x12c: {  	v3 =	vld [tilespmem:$0x4ED0];
	_ =	sdelay $0x2  }
0x12d: {  	v4 =	vld.idx.msk [tilespmem:v2+s22+$0x0], $0xffff  }
0x12e: {  	v5 =	vld.idx.msk [tilespmem:v2+s20+$0x0], $0xffff  }
0x12f: {  	v61 =	vld.idx.msk [tilespmem:v2+s21+$0x0], $0xffff;
	_ =	sdelay $0x2  }
0x130: {  	v7 =	vld.idx.msk [tilespmem:v3+s22+$0x0], $0xffff  }
0x131: {  	v5 =	vmul.f32 v5, v4  }
0x132: {  	v4 =	vmul.f32 v61, v4  }
0x133: {  	[tilespmem:v3+s25+$0x0] =	vst.idx.add.f32.msk $0xffff, v5  }
0x134: {  	[tilespmem:v3+s26+$0x0] =	vst.idx.add.f32.msk $0xffff, v4  }
0x135: {  	[tilespmem:v2+s28+$0x0] =	vst.idx.add.f32.msk $0xffff, v7  }
0x136: {  	v2 =	vld [tilespmem:$0x4E60];
	_ =	sdelay $0x4  }
0x137: {  	v3 =	vld [tilespmem:$0x4EE0];
	_ =	sdelay $0x2  }
0x138: {  	v4 =	vld.idx.msk [tilespmem:v2+s22+$0x0], $0xffff  }
0x139: {  	v5 =	vld.idx.msk [tilespmem:v2+s20+$0x0], $0xffff  }
0x13a: {  	v62 =	vld.idx.msk [tilespmem:v2+s21+$0x0], $0xffff;
	_ =	sdelay $0x2  }
0x13b: {  	v7 =	vld.idx.msk [tilespmem:v3+s22+$0x0], $0xffff  }
0x13c: {  	v5 =	vmul.f32 v5, v4  }
0x13d: {  	v4 =	vmul.f32 v62, v4  }
0x13e: {  	[tilespmem:v3+s25+$0x0] =	vst.idx.add.f32.msk $0xffff, v5  }
0x13f: {  	[tilespmem:v3+s26+$0x0] =	vst.idx.add.f32.msk $0xffff, v4  }
0x140: {  	[tilespmem:v2+s28+$0x0] =	vst.idx.add.f32.msk $0xffff, v7  }
0x141: {  	v2 =	vld [tilespmem:$0x4E70];
	_ =	sdelay $0x4  }
0x142: {  	v3 =	vld [tilespmem:$0x4EF0];
	_ =	sdelay $0x2  }
0x143: {  	v4 =	vld.idx.msk [tilespmem:v2+s22+$0x0], $0xffff  }
0x144: {  	v5 =	vld.idx.msk [tilespmem:v2+s20+$0x0], $0xffff  }
0x145: {  	v63 =	vld.idx.msk [tilespmem:v2+s21+$0x0], $0xffff;
	_ =	sdelay $0x2  }
0x146: {  	v7 =	vld.idx.msk [tilespmem:v3+s22+$0x0], $0xffff  }
0x147: {  	v5 =	vmul.f32 v5, v4  }
0x148: {  	v4 =	vmul.f32 v63, v4  }
0x149: {  	[tilespmem:v3+s25+$0x0] =	vst.idx.add.f32.msk $0xffff, v5  }
0x14a: {  	[tilespmem:v3+s26+$0x0] =	vst.idx.add.f32.msk $0xffff, v4  }
0x14b: {  	[tilespmem:v2+s28+$0x0] =	vst.idx.add.f32.msk $0xffff, v7  }
.LBB2_7:
0x14c: {  	_ =	sdelay $0x3  }
0x14d: {  	v14 =	vld.idx.msk [tilespmem:v0+s19+$0x0 ss:$0x1], $0xffff  }
0x14e: {  	v4 =	vld.idx.msk [tilespmem:v0+s18+$0x0 ss:$0x1], $0xffff  }
0x14f: {  	v5 =	vld.idx.msk [tilespmem:v0+s18+$0xFFFFFFD0 ss:$0x1], $0xffff  }
0x150: {  	v6 =	vld.idx.msk [tilespmem:v0+s16+$0x0 ss:$0x1], $0xffff  }
0x151: {  	v2 =	vld.idx.msk [tilespmem:v0+s19+$0xFFFFFFE0 ss:$0x1], $0xffff  }
0x152: {  	v7 =	vld.idx.msk [tilespmem:v0+s18+$0xFFFFFFE0 ss:$0x1], $0xffff  }
0x153: {  	v3 =	vld.idx.msk [tilespmem:v0+s19+$0xFFFFFFF0 ss:$0x1], $0xffff  }
0x154: {  	v9 =	vld.idx.msk [tilespmem:v0+s18+$0xFFFFFFF0 ss:$0x1], $0xffff  }
0x155: {  	v8 =	vld.idx.msk [tilespmem:v0+s19+$0xFFFFFFD0 ss:$0x1], $0xffff;
	v4 =	vmul.f32 v4, v14  }
0x156: {  	v10 =	vld.idx.msk [tilespmem:v0+s16+$0xFFFFFFD0 ss:$0x1], $0xffff  }
0x157: {  	v11 =	vld.idx.msk [tilespmem:v0+s16+$0xFFFFFFE0 ss:$0x1], $0xffff;
	v4 =	vadd.f32 v6, v4  }
0x158: {  	v6 =	vld.idx.msk [tilespmem:v0+s17+$0x0 ss:$0x1], $0xffff  }
0x159: {  	v13 =	vld.idx.msk [tilespmem:v0+s16+$0xFFFFFFF0 ss:$0x1], $0xffff;
	[tilespmem:v0+s16+$0x0 ss:$0x1] =	vst.idx.msk $0xffff, v4  }
0x15a: {  	v5 =	vmul.f32 v5, v8;
	v4 =	vld.idx.msk [tilespmem:v0+s15+$0x0 ss:$0x1], $0xffff  }
0x15b: {  	v15 =	vld.idx.msk [tilespmem:v0+s17+$0xFFFFFFD0 ss:$0x1], $0xffff;
	v7 =	vmul.f32 v7, v2  }
0x15c: {  	v16 =	vld.idx.msk [tilespmem:v0+s17+$0xFFFFFFE0 ss:$0x1], $0xffff;
	s4 =	sadd.s32 $0x40, s6;
	v9 =	vmul.f32 v9, v3;
	v5 =	vadd.f32 v10, v5  }
0x15d: {  	p2 =	slt.u32 s4, s9;
	v10 =	vld.idx.msk [tilespmem:v0+s17+$0xFFFFFFF0 ss:$0x1], $0xffff;
	v7 =	vadd.f32 v11, v7;
	v6 =	vmul.f32 v6, v14  }
.Ltmp3:
0x15e: {  	[tilespmem:v0+s16+$0xFFFFFFD0 ss:$0x1] =	vst.idx.msk $0xffff, v5;
	v5 =	vadd.f32 v13, v9;
	(pc) =	sbr.rel @!p2 .LBB2_8-.Ltmp3, $4  }
0x15f: {  	[tilespmem:v0+s16+$0xFFFFFFE0 ss:$0x1] =	vst.idx.msk $0xffff, v7;
	v12 =	vld.idx.msk [tilespmem:v0+s15+$0xFFFFFFD0 ss:$0x1], $0xffff;
	v4 =	vadd.f32 v4, v6  }
0x160: {  	v13 =	vld.idx.msk [tilespmem:v0+s15+$0xFFFFFFE0 ss:$0x1], $0xffff;
	[tilespmem:v0+s16+$0xFFFFFFF0 ss:$0x1] =	vst.idx.msk $0xffff, v5  }
0x161: {  	v15 =	vmul.f32 v15, v8;
	v9 =	vld.idx.msk [tilespmem:v0+s15+$0xFFFFFFF0 ss:$0x1], $0xffff;
	[tilespmem:v0+s15+$0x0 ss:$0x1] =	vst.idx.msk $0xffff, v4  }
0x162: {  	s11 =	sadd.s32 $0x40, s19;
	p1 =	por $0x0, $0x0;
	v16 =	vmul.f32 v16, v2;
	v10 =	vmul.f32 v10, v3;
	v11 =	vld.idx.msk [tilespmem:v0+s7+$0x10 ss:$0x1], $0xffff  }
0x163: {  	_ =	sdelay $0x3  }
0x164: {  	v6 =	vld.idx.msk [tilespmem:v0+s11+$0x0 ss:$0x1], $0xffff  }
0x165: {  	v7 =	vld.idx.msk [tilespmem:v0+s11+$0xFFFFFFE0 ss:$0x1], $0xffff  }
0x166: {  	s29 =	sadd.s32 $0x40, s18;
	v4 =	vld.idx.msk [tilespmem:v0+s11+$0xFFFFFFF0 ss:$0x1], $0xffff  }
0x167: {  	v5 =	vld.idx.msk [tilespmem:v0+s29+$0x0 ss:$0x1], $0xffff  }
0x168: {  	s3 =	sadd.s32 $0x40, s16;
	v17 =	vld.idx.msk [tilespmem:v0+s29+$0xFFFFFFD0 ss:$0x1], $0xffff  }
0x169: {  	v18 =	vld.idx.msk [tilespmem:v0+s3+$0x0 ss:$0x1], $0xffff  }
0x16a: {  	v19 =	vld.idx.msk [tilespmem:v0+s29+$0xFFFFFFE0 ss:$0x1], $0xffff  }
0x16b: {  	v20 =	vld.idx.msk [tilespmem:v0+s29+$0xFFFFFFF0 ss:$0x1], $0xffff  }
0x16c: {  	v22 =	vld.idx.msk [tilespmem:v0+s3+$0xFFFFFFD0 ss:$0x1], $0xffff  }
0x16d: {  	v12 =	vadd.f32 v12, v15;
	v15 =	vld.idx.msk [tilespmem:v0+s3+$0xFFFFFFF0 ss:$0x1], $0xffff;
	v21 =	vmul.f32 v5, v6  }
0x16e: {  	s5 =	sadd.s32 $0x40, s17;
	v11 =	vadd.f32 v11, v14;
	v5 =	vld.idx.msk [tilespmem:v0+s11+$0xFFFFFFD0 ss:$0x1], $0xffff  }
0x16f: {  	v63 =	vld.idx.msk [tilespmem:v0+s5+$0x0 ss:$0x1], $0xffff;
	v18 =	vadd.f32 v18, v21  }
0x170: {  	v23 =	vld.idx.msk [tilespmem:v0+s3+$0xFFFFFFE0 ss:$0x1], $0xffff;
	[tilespmem:v0+s7+$0x10 ss:$0x1] =	vst.idx.msk $0xffff, v11  }
0x171: {  	s8 =	sadd.s32 $0x40, s15;
	v13 =	vadd.f32 v13, v16;
	v16 =	vld.idx.msk [tilespmem:v0+s5+$0xFFFFFFD0 ss:$0x1], $0xffff;
	v11 =	vmul.f32 v20, v4;
	[tilespmem:v0+s3+$0x0 ss:$0x1] =	vst.idx.msk $0xffff, v18  }
0x172: {  	v18 =	vld.idx.msk [tilespmem:v0+s8+$0x0 ss:$0x1], $0xffff  }
0x173: {  	[tilespmem:v0+s15+$0xFFFFFFD0 ss:$0x1] =	vst.idx.msk $0xffff, v12;
	v14 =	vld.idx.msk [tilespmem:v0+s5+$0xFFFFFFE0 ss:$0x1], $0xffff;
	v11 =	vadd.f32 v15, v11;
	v17 =	vmul.f32 v17, v5  }
0x174: {  	v9 =	vadd.f32 v9, v10;
	[tilespmem:v0+s15+$0xFFFFFFE0 ss:$0x1] =	vst.idx.msk $0xffff, v13;
	v12 =	vmul.f32 v19, v7;
	v19 =	vld.idx.msk [tilespmem:v0+s5+$0xFFFFFFF0 ss:$0x1], $0xffff  }
0x175: {  	s10 =	sadd.s32 $0x40, s4;
	v20 =	vld.idx.msk [tilespmem:v0+s7+$0xFFFFFFE0 ss:$0x1], $0xffff;
	[tilespmem:v0+s3+$0xFFFFFFF0 ss:$0x1] =	vst.idx.msk $0xffff, v11;
	v13 =	vadd.f32 v22, v17;
	v17 =	vmul.f32 v63, v6  }
0x176: {  	p2 =	slt.u32 s10, s9;
	[tilespmem:v0+s15+$0xFFFFFFF0 ss:$0x1] =	vst.idx.msk $0xffff, v9;
	v12 =	vadd.f32 v23, v12;
	v9 =	vld.idx.msk [tilespmem:v0+s8+$0xFFFFFFF0 ss:$0x1], $0xffff  }
.Ltmp4:
0x177: {  	[tilespmem:v0+s3+$0xFFFFFFD0 ss:$0x1] =	vst.idx.msk $0xffff, v13;
	v18 =	vadd.f32 v18, v17;
	v17 =	vld.idx.msk [tilespmem:v0+s7+$0xFFFFFFF0 ss:$0x1], $0xffff;
	(pc) =	sbr.rel @!p2 .LBB2_10-.Ltmp4, $4  }
0x178: {  	[tilespmem:v0+s3+$0xFFFFFFE0 ss:$0x1] =	vst.idx.msk $0xffff, v12;
	v12 =	vld.idx.msk [tilespmem:v0+s8+$0xFFFFFFD0 ss:$0x1], $0xffff  }
0x179: {  	s14 =	sadd.s32 $0x40, s7;
	v13 =	vld.idx.msk [tilespmem:v0+s8+$0xFFFFFFE0 ss:$0x1], $0xffff;
	[tilespmem:v0+s8+$0x0 ss:$0x1] =	vst.idx.msk $0xffff, v18  }
0x17a: {  	v15 =	vmul.f32 v16, v5;
	v11 =	vld.idx.msk [tilespmem:v0+s14+$0x10 ss:$0x1], $0xffff  }
0x17b: {  	p1 =	por $0x1, $0x1;
	s4 =	smov.u32 s7;
	s11 =	sadd.s32 $0x40, s11;
	v16 =	vmul.f32 v14, v7;
	v10 =	vmul.f32 v19, v4;
	v19 =	vadd.f32 v20, v8;
	v18 =	vld.idx.msk [tilespmem:v0+s7+$0x0 ss:$0x1], $0xffff  }
.LBB2_11:
0x17c: {  	v8 =	vld.idx.msk [tilespmem:v0+s11+$0x0 ss:$0x1], $0xffff;
	s29 =	sadd.s32 $0x40, s29;
	v14 =	vadd.f32 v17, v2;
	v2 =	vmov v7  }
0x17d: {  	s10 =	sadd.s32 $0x40, s10;
	v7 =	vadd.f32 v12, v15;
	v17 =	vld.idx.msk [tilespmem:v0+s29+$0x0 ss:$0x1], $0xffff;
	[tilespmem:v0+s4+$0xFFFFFFE0 ss:$0x1] =	vst.idx.msk $0xffff, v19  }
0x17e: {  	s3 =	sadd.s32 $0x40, s3;
	p2 =	slt.u32 s10, s9;
	v13 =	vadd.f32 v13, v16;
	v12 =	vld.idx.msk [tilespmem:v0+s29+$0xFFFFFFD0 ss:$0x1], $0xffff;
	[tilespmem:v0+s4+$0xFFFFFFF0 ss:$0x1] =	vst.idx.msk $0xffff, v14  }
0x17f: {  	v15 =	vadd.f32 v11, v6;
	v14 =	vld.idx.msk [tilespmem:v0+s3+$0x0 ss:$0x1], $0xffff;
	[tilespmem:v0+s8+$0xFFFFFFD0 ss:$0x1] =	vst.idx.msk $0xffff, v7  }
0x180: {  	v9 =	vadd.f32 v9, v10;
	v7 =	vld.idx.msk [tilespmem:v0+s11+$0xFFFFFFE0 ss:$0x1], $0xffff;
	[tilespmem:v0+s8+$0xFFFFFFE0 ss:$0x1] =	vst.idx.msk $0xffff, v13  }
0x181: {  	v11 =	vadd.f32 v18, v3;
	v3 =	vmov v4;
	v10 =	vld.idx.msk [tilespmem:v0+s29+$0xFFFFFFE0 ss:$0x1], $0xffff;
	[tilespmem:v0+s14+$0x10 ss:$0x1] =	vst.idx.msk $0xffff, v15  }
0x182: {  	v6 =	vmov v8;
	v4 =	vld.idx.msk [tilespmem:v0+s11+$0xFFFFFFF0 ss:$0x1], $0xffff;
	[tilespmem:v0+s8+$0xFFFFFFF0 ss:$0x1] =	vst.idx.msk $0xffff, v9  }
0x183: {  	v9 =	vmul.f32 v17, v6;
	v8 =	vld.idx.msk [tilespmem:v0+s29+$0xFFFFFFF0 ss:$0x1], $0xffff;
	[tilespmem:v0+s4+$0x0 ss:$0x1] =	vst.idx.msk $0xffff, v11;
	s4 =	smov.u32 s14  }
0x184: {  	v20 =	vld.idx.msk [tilespmem:v0+s11+$0xFFFFFFD0 ss:$0x1], $0xffff  }
0x185: {  	s5 =	sadd.s32 $0x40, s5;
	v9 =	vadd.f32 v14, v9;
	v11 =	vld.idx.msk [tilespmem:v0+s3+$0xFFFFFFD0 ss:$0x1], $0xffff  }
0x186: {  	v13 =	vld.idx.msk [tilespmem:v0+s5+$0x0 ss:$0x1], $0xffff  }
0x187: {  	s8 =	sadd.s32 $0x40, s8;
	v10 =	vmul.f32 v10, v7;
	v14 =	vld.idx.msk [tilespmem:v0+s3+$0xFFFFFFE0 ss:$0x1], $0xffff;
	[tilespmem:v0+s3+$0x0 ss:$0x1] =	vst.idx.msk $0xffff, v9  }
0x188: {  	v9 =	vld.idx.msk [tilespmem:v0+s8+$0x0 ss:$0x1], $0xffff  }
0x189: {  	v8 =	vmul.f32 v8, v4;
	v15 =	vld.idx.msk [tilespmem:v0+s3+$0xFFFFFFF0 ss:$0x1], $0xffff  }
0x18a: {  	v12 =	vmul.f32 v12, v20;
	v16 =	vld.idx.msk [tilespmem:v0+s5+$0xFFFFFFD0 ss:$0x1], $0xffff  }
0x18b: {  	v18 =	vld.idx.msk [tilespmem:v0+s5+$0xFFFFFFE0 ss:$0x1], $0xffff  }
0x18c: {  	v11 =	vadd.f32 v11, v12;
	v12 =	vmul.f32 v13, v6;
	v19 =	vld.idx.msk [tilespmem:v0+s5+$0xFFFFFFF0 ss:$0x1], $0xffff  }
0x18d: {  	v10 =	vadd.f32 v14, v10;
	v14 =	vld.idx.msk [tilespmem:v0+s14+$0xFFFFFFE0 ss:$0x1], $0xffff  }
0x18e: {  	v9 =	vadd.f32 v9, v12;
	[tilespmem:v0+s3+$0xFFFFFFD0 ss:$0x1] =	vst.idx.msk $0xffff, v11;
	v17 =	vld.idx.msk [tilespmem:v0+s14+$0xFFFFFFF0 ss:$0x1], $0xffff  }
.Ltmp5:
0x18f: {  	v8 =	vadd.f32 v15, v8;
	v12 =	vld.idx.msk [tilespmem:v0+s8+$0xFFFFFFD0 ss:$0x1], $0xffff;
	[tilespmem:v0+s3+$0xFFFFFFE0 ss:$0x1] =	vst.idx.msk $0xffff, v10;
	(pc) =	sbr.rel @p2 .LBB2_11-.Ltmp5, $4  }
0x190: {  	s14 =	sadd.s32 $0x40, s14;
	v15 =	vmul.f32 v16, v20;
	v13 =	vld.idx.msk [tilespmem:v0+s8+$0xFFFFFFE0 ss:$0x1], $0xffff;
	[tilespmem:v0+s8+$0x0 ss:$0x1] =	vst.idx.msk $0xffff, v9  }
0x191: {  	v16 =	vmul.f32 v18, v7;
	[tilespmem:v0+s3+$0xFFFFFFF0 ss:$0x1] =	vst.idx.msk $0xffff, v8;
	v11 =	vld.idx.msk [tilespmem:v0+s14+$0x10 ss:$0x1], $0xffff  }
0x192: {  	v10 =	vmul.f32 v19, v4;
	v9 =	vld.idx.msk [tilespmem:v0+s8+$0xFFFFFFF0 ss:$0x1], $0xffff  }
0x193: {  	s11 =	sadd.s32 $0x40, s11;
	v19 =	vadd.f32 v14, v5;
	v5 =	vmov v20;
	v18 =	vld.idx.msk [tilespmem:v0+s4+$0x0 ss:$0x1], $0xffff  }
0x194: {  	v20 =	vmov v2  }
0x195: {  	v21 =	vmovc v3;
	v2 =	vmovc v7;
	v14 =	vmov v6;
	v3 =	vmov v4;
	v8 =	vmov v5  }
.LBB2_13:
0x196: {  	_ =	sdelay $0x1  }
0x197: {  	v4 =	vadd.f32 v12, v15  }
0x198: {  	v5 =	vadd.f32 v13, v16  }
0x199: {  	v60 =	vadd.f32 v9, v10;
	[tilespmem:v0+s8+$0xFFFFFFD0 ss:$0x1] =	vst.idx.msk $0xffff, v4  }
0x19a: {  	[tilespmem:v0+s8+$0xFFFFFFE0 ss:$0x1] =	vst.idx.msk $0xffff, v5;
	v61 =	vld.idx.msk [tilespmem:v0+s14+$0xFFFFFFE0 ss:$0x1], $0xffff  }
0x19b: {  	[tilespmem:v0+s8+$0xFFFFFFF0 ss:$0x1] =	vst.idx.msk $0xffff, v60;
	v62 =	vld.idx.msk [tilespmem:v0+s14+$0xFFFFFFF0 ss:$0x1], $0xffff  }
0x19c: {  	v6 =	vadd.f32 @p1 v17, v20;
	v7 =	vld.idx.msk [tilespmem:v0+s14+$0x0 ss:$0x1], $0xffff  }
0x19d: {  	[tilespmem:v0+s4+$0xFFFFFFE0 ss:$0x1] =	vst.idx.msk @p1 $0xffff, v19;
	v63 =	vadd.f32 v11, v14  }
0x19e: {  	[tilespmem:v0+s4+$0xFFFFFFF0 ss:$0x1] =	vst.idx.msk @p1 $0xffff, v6;
	v6 =	vadd.f32 @p1 v18, v21  }
0x19f: {  	[tilespmem:v0+s14+$0x10 ss:$0x1] =	vst.idx.msk $0xffff, v63;
	v5 =	vadd.f32 v61, v8  }
0x1a0: {  	[tilespmem:v0+s4+$0x0 ss:$0x1] =	vst.idx.msk @p1 $0xffff, v6;
	v2 =	vadd.f32 v62, v2  }
0x1a1: {  	v3 =	vadd.f32 v7, v3;
	[tilespmem:v0+s14+$0xFFFFFFE0 ss:$0x1] =	vst.idx.msk $0xffff, v5  }
0x1a2: {  	[tilespmem:v0+s14+$0xFFFFFFF0 ss:$0x1] =	vst.idx.msk $0xffff, v2  }
0x1a3: {  	[tilespmem:v0+s14+$0x0 ss:$0x1] =	vst.idx.msk $0xffff, v3  }
0x1a4: {  	s3 =	rddreg [dreg:$0x8]  }
0x1a5: {  	[hbm4b:s3+s31] =	stream.strided.scatter [tilespmem:s25], [sflag:$0x3], $0x2800, s0, s31, $0x38;
	[tilespmem:$0x13F00] =	vst v63  }
0x1a6: {  	_ =	swait.ge [sflag:s30], $0x2800  }
0x1a7: {  	[sflag:s30] =	ssyncset.done $0x0  }
0x1a8: {  	s29 =	rddreg [dreg:$0x9];
	[sflag:s30] =	ssyncadd.s32 $0xFFFFD800  }
0x1a9: {  	[hbm4b:s29+s31] =	stream.strided.scatter [tilespmem:s26], [sflag:$0x3], $0x2800, s0, s31, $0x38;
	[tilespmem:$0x13F00] =	vst v63  }
0x1aa: {  	_ =	swait.ge [sflag:s30], $0x2800  }
0x1ab: {  	s2 =	sadd.s32 $0x1, s2;
	[sflag:s30] =	ssyncset.done $0x0  }
0x1ac: {  	p1 =	seq.s32 s2, s13;
	[sflag:s30] =	ssyncadd.s32 $0xFFFFD800  }
0x1ad: {  	[hbm4b:s12+s31] =	stream.strided.scatter [tilespmem:s28], [sflag:$0x3], $0x2800, s0, s31, $0x38;
	[tilespmem:$0x13F00] =	vst v63  }
.Ltmp6:
0x1ae: {  	_ = 	snop;
	(pc) =	sbr.rel @!p1 .LBB2_1-.Ltmp6, $4  }
.Ltmp7:
0x1af: {  	_ = 	snop;
	(pc) =	sbr.rel @p1 .LBB2_14-.Ltmp7, $4  }
0x1b0: {  	_ =	swait.ge [sflag:s30], $0x2800  }
0x1b1: {  	[sflag:s30] =	ssyncset.done $0x0  }
0x1b2: {  	[sflag:s30] =	ssyncadd.s32 $0xFFFFD800  }
0x1b3: {  	_ = 	snop  }
.LBB2_8:
.Ltmp8:
0x1b4: {  	(pc) =	sbr.rel .LBB2_13-.Ltmp8, $2  }
0x1b5: {  	_ =	sdelay $0x2  }
0x1b6: {  	s8 =	smov.u32 s15;
	s14 =	smov.u32 s7  }
.LBB2_10:
.Ltmp9:
0x1b7: {  	(pc) =	sbr.rel .LBB2_13-.Ltmp9, $3  }
0x1b8: {  	_ =	sdelay $0x1  }
0x1b9: {  	v20 =	vmov v2  }
0x1ba: {  	v21 =	vmovc v3;
	v2 =	vmovc v7;
	s4 =	smov.u32 s7;
	v14 =	vmov v6;
	v3 =	vmov v4;
	v8 =	vmov v5  }
.LBB2_14:
0x1bb: {  	_ =	sfence.sel $0x180000  }
0x1bc: {  	[bflag:$0x0] =	sbarrier.arrive $0xFFFF  }
0x1bd: {  	_ =	strace $0x9000004A  }
0x1be: {  	s0 =	stileid.u32;
	[bflag:$0x2] =	sbarrier.arrive $0xFFFF  }
0x1bf: {  	p0 =	sne.s32 s0, $0x0;
	s0 =	rddreg [dreg:$0x2]  }
0x1c0: {  	s0 =	sadd.s32 @!p0 $0x100000, s0  }
0x1c1: {  	[sflag:s0] =	ssyncadd.tile.s32 @!p0 $0x1;
	_ =	shalt  }
.Lfunc_end2:
_tile_overlayer_lowered:
.L_overlay_start_2:
0x1c2: {  	(tag) =	ssettag $0x2  }
0x1c3: {  	s0 =	rddreg [dreg:$0x0];
	s2 =	stileid.u32  }
0x1c4: {  	s1 =	rddreg [dreg:$0x1];
	p0 =	sne.s32 s2, $0x0  }
0x1c5: {  	s3 =	rddreg [dreg:$0x2];
	[bflag:$0x3] =	sbarrier.arrive $0xFFFF;
	s2 =	simm.s32 @!p0 $0x1C03  }
0x1c6: {  	[timem:s3], [sflag:s2] =	dma.local @!p0 [hbm:s0], s1  }
0x1c7: {  	s0 =	simm.s32 @!p0 $0x3  }
0x1c8: {  	_ =	swait.ge @!p0 [sflag:s0], s1  }
0x1c9: {  	s1 =	ssub.s32 @!p0 $0x0, s1;
	[sflag:s0] =	ssyncset.done @!p0 $0x0  }
0x1ca: {  	[sflag:s0] =	ssyncadd.s32 @!p0 s1  }
0x1cb: {  	[bflag:$0x3] =	sbarrier.arrive $0xFFFF  }
0x1cc: {  	_ =	shalt  }

// kernel: kernel.7.cloned.1.call-start
scs
__scs_entry_jumppad:
0x0: {  	(pc) =	sbr.rel $0x88, $3  }
0x1: {  	(tag) =	ssettag $0x0;
	lr =	simm.s32 $0x1  }
0x2: {  	[smem:$0x3F99] =	sst lr;
	_ =	strace $0xD0000000  }
0x3: {  	_ = 	snop  }
0x4: {  	_ = 	snop  }
0x5: {  	_ = 	snop  }
0x6: {  	_ = 	snop  }
0x7: {  	_ = 	snop  }
__scs_overlays_trampoline_lowered:
0x8: {  	[smem:$0x3FA8] =	sst s0  }
0x9: {  	[smem:$0x3FA9] =	sst s1  }
0xa: {  	[smem:$0x3FAA] =	sst s2  }
0xb: {  	[smem:$0x3FAB] =	sst s3  }
0xc: {  	[smem:$0x3FAC] =	sst s4  }
0xd: {  	[smem:$0x3FAD] =	sst s5  }
0xe: {  	[smem:$0x3FAE] =	sst s6  }
0xf: {  	[smem:$0x3FAF] =	sst s7  }
0x10: {  	[smem:$0x3FB0] =	sst s8  }
0x11: {  	[smem:$0x3FB1] =	sst s9;
	s0 =	simm.s32 @!p0 $0x0  }
0x12: {  	s1 =	sld [smem:$0x3F97];
	s0 =	simm.s32 @p0 $0x1  }
0x13: {  	[smem:$0x3FB2] =	sst s0;
	s0 =	simm.s32 @!p1 $0x0  }
0x14: {  	s2 =	sld [smem:$0x3F96];
	s0 =	simm.s32 @p1 $0x1  }
0x15: {  	[smem:$0x3FB3] =	sst s0;
	s0 =	simm.s32 @!p2 $0x0  }
0x16: {  	s3 =	sld [smem:$0x3FDB];
	s0 =	simm.s32 @p2 $0x1  }
0x17: {  	s4 =	simm.s32 $0x1BF5;
	[smem:$0x3FB5] =	sst s0  }
0x18: {  	s0 =	sld [smem:$0x3F98];
	_ =	swait.ge [sflag:s4], $0x0  }
0x19: {  	s7 =	sld [smem:$0x3F99]  }
0x1a: {  	s8 =	sadd.s32 $0xFFFFE003, lr  }
0x1b: {  	s9 =	sadd.s32 $0xFFFFFEF7, lr;
	s5 =	simm.s32 $0xFFFFFFFF;
	p2 =	slt.u32 s8, $0xFFFFF086  }
0x1c: {  	p1 =	slt.u32 s9, $0xF7A;
	s5 =	simm.s32 @!p2 $0x0  }
0x1d: {  	s5 =	simm.s32 @p1 $0x1;
	p0 =	seq.s32 s7, s2  }
0x1e: {  	s7 =	smul.u32 @!p0 $0xF7A, s2;
	p2 =	seq.s32 @!p0 s5, $0x0  }
0x1f: {  	s9 =	smul.u32 $0xF7A, s1;
	s8 =	simm.s32 @!p0 $0x1BF5;
	p2 =	por !p2, p0  }
0x20: {  	[sflag:s8] =	ssyncset.s32 @!p0 $0xFFFFF086;
	s6 =	sadd.s32 @!p0 s3, s7;
	s7 =	simm.s32 @!p0 $0x108  }
0x21: {  	s3 =	sadd.s32 s3, s9;
	s6 =	sadd.s32 @!p0 $0x88, s6;
	s7 =	simm.s32 @p2 $0x1082  }
0x22: {  	[simem:s7], [sflag:s8] =	dma.local @!p0 [hbm:s6], $0xF7A  }
0x23: {  	s9 =	sor.u32 $0xD0000000, s2;
	s6 =	simm.s32 $0x108;
	_ =	swait.ge @!p0 [sflag:s8], $0x0  }
0x24: {  	s3 =	sadd.s32 $0x88, s3;
	s6 =	simm.s32 @!p1 $0x1082;
	[sflag:s4] =	ssyncset.s32 $0xFFFFF086  }
0x25: {  	[simem:s6], [sflag:s4] =	dma.local [hbm:s3], $0xF7A  }
0x26: {  	[smem:$0x3F99] =	sst s1;
	(tag) =	ssettag s2;
	_ =	strace s9  }
0x27: {  	s1 =	sld [smem:$0x3FA9]  }
0x28: {  	s2 =	sld [smem:$0x3FAA]  }
0x29: {  	s4 =	sld [smem:$0x3FAC]  }
0x2a: {  	p0 =	seq.s32 s5, $0x0;
	s5 =	sld [smem:$0x3FAD]  }
0x2b: {  	s6 =	sld [smem:$0x3FAE]  }
0x2c: {  	s7 =	sld [smem:$0x3FAF]  }
0x2d: {  	s3 =	simm.s32 $0x108;
	s8 =	sld [smem:$0x3FB0]  }
0x2e: {  	s3 =	simm.s32 @!p0 $0x1082;
	s9 =	sld [smem:$0x3FB1]  }
0x2f: {  	lr =	sadd.s32 s0, s3;
	s0 =	sld [smem:$0x3FA8]  }
0x30: {  	s3 =	sld [smem:$0x3FAB]  }
0x31: {  	[smem:$0x3FB4] =	sst s10  }
0x32: {  	s10 =	sld [smem:$0x3FB2];
	_ =	sdelay $0x3  }
0x33: {  	p0 =	seq.s32 s10, $0x1;
	s10 =	sld [smem:$0x3FB4];
	_ =	sdelay $0x3  }
0x34: {  	[smem:$0x3FB4] =	sst s10  }
0x35: {  	s10 =	sld [smem:$0x3FB3];
	_ =	sdelay $0x3  }
0x36: {  	p1 =	seq.s32 s10, $0x1;
	s10 =	sld [smem:$0x3FB4];
	_ =	sdelay $0x3  }
0x37: {  	[smem:$0x3FB4] =	sst s10  }
0x38: {  	s10 =	sld [smem:$0x3FB5]  }
0x39: {  	_ = 	snop;
	(pc) =	sbr.ind lr, $3  }
0x3a: {  	_ = 	snop  }
0x3b: {  	_ = 	snop  }
0x3c: {  	p2 =	seq.s32 s10, $0x1;
	s10 =	sld [smem:$0x3FB4]  }
0x3d: {  	_ =	shalt  }
0x3e: {  	_ =	shalt  }
0x3f: {  	_ =	shalt  }
0x40: {  	_ =	shalt  }
0x41: {  	_ =	shalt  }
0x42: {  	_ =	shalt  }
0x43: {  	_ =	shalt  }
0x44: {  	_ =	shalt  }
0x45: {  	_ =	shalt  }
0x46: {  	_ =	shalt  }
0x47: {  	_ =	shalt  }
0x48: {  	_ =	shalt  }
0x49: {  	_ =	shalt  }
0x4a: {  	_ =	shalt  }
0x4b: {  	_ =	shalt  }
0x4c: {  	_ =	shalt  }
0x4d: {  	_ =	shalt  }
0x4e: {  	_ =	shalt  }
0x4f: {  	_ =	shalt  }
0x50: {  	_ =	shalt  }
0x51: {  	_ =	shalt  }
0x52: {  	_ =	shalt  }
0x53: {  	_ =	shalt  }
0x54: {  	_ =	shalt  }
0x55: {  	_ =	shalt  }
0x56: {  	_ =	shalt  }
0x57: {  	_ =	shalt  }
0x58: {  	_ =	shalt  }
0x59: {  	_ =	shalt  }
0x5a: {  	_ =	shalt  }
0x5b: {  	_ =	shalt  }
0x5c: {  	_ =	shalt  }
0x5d: {  	_ =	shalt  }
0x5e: {  	_ =	shalt  }
0x5f: {  	_ =	shalt  }
0x60: {  	_ =	shalt  }
0x61: {  	_ =	shalt  }
0x62: {  	_ =	shalt  }
0x63: {  	_ =	shalt  }
0x64: {  	_ =	shalt  }
0x65: {  	_ =	shalt  }
0x66: {  	_ =	shalt  }
0x67: {  	_ =	shalt  }
0x68: {  	_ =	shalt  }
0x69: {  	_ =	shalt  }
0x6a: {  	_ =	shalt  }
0x6b: {  	_ =	shalt  }
0x6c: {  	_ =	shalt  }
0x6d: {  	_ =	shalt  }
0x6e: {  	_ =	shalt  }
0x6f: {  	_ =	shalt  }
0x70: {  	_ =	shalt  }
0x71: {  	_ =	shalt  }
0x72: {  	_ =	shalt  }
0x73: {  	_ =	shalt  }
0x74: {  	_ =	shalt  }
0x75: {  	_ =	shalt  }
0x76: {  	_ =	shalt  }
0x77: {  	_ =	shalt  }
0x78: {  	_ =	shalt  }
0x79: {  	_ =	shalt  }
0x7a: {  	_ =	shalt  }
0x7b: {  	_ =	shalt  }
0x7c: {  	_ =	shalt  }
0x7d: {  	_ =	shalt  }
0x7e: {  	_ =	shalt  }
0x7f: {  	_ =	shalt  }
0x80: {  	_ =	shalt  }
0x81: {  	_ =	shalt  }
0x82: {  	_ =	shalt  }
0x83: {  	_ =	shalt  }
0x84: {  	_ =	shalt  }
0x85: {  	_ =	shalt  }
0x86: {  	_ =	shalt  }
0x87: {  	_ =	shalt  }
.Lfunc_end0:
.L_simem_size_0:
called_computation_lowered:
.L_overlay_start_0:
0x88: {  	s2 =	sld [smem:$0x3FD9]  }
0x89: {  	s3 =	sld [smem:$0x3FFE];
	_ =	sdelay $0x1  }
0x8a: {  	s1 =	srdreg.scid  }
0x8b: {  	s0 =	sand.u32 $0x1, s1  }
0x8c: {  	s17 =	sshll.u32 s0, $0xA;
	s2 =	sadd.s32 s3, s2  }
0x8d: {  	s2 =	sadd.s32 s2, s17  }
0x8e: {  	[smem:$0x3FC0] =	sst s2  }
0x8f: {  	_ = 	snop  }
0x90: {  	s2 =	sld [smem:$0x3FC8];
	(tm) =	ssettm $0x1  }
0x91: {  	s18 =	sld [smem:$0x3FFB];
	_ =	sdelay $0x3  }
0x92: {  	_ =	strace s18  }
0x93: {  	s3 =	sld [smem:$0x3FFC];
	_ =	sdelay $0x3  }
0x94: {  	_ =	strace s3  }
0x95: {  	s3 =	sld [smem:$0x3FFD];
	_ =	sdelay $0x3  }
0x96: {  	_ =	strace s3  }
0x97: {  	_ =	strace $0x8FFFFFFF  }
0x98: {  	s19 =	sld [smem:$0x3FDB];
	_ =	sdelay $0x1  }
0x99: {  	s4 =	simm.s32 $_scs_section_size  }
0x9a: {  	s5 =	simm.s32 $_size__tile_overlayer_lowered;
	s6 =	simm.s32 $_tile_overlayer_lowered  }
0x9b: {  	s22 =	simm.s32 $0x1BFF;
	s21 =	sshll.u32 s6, $0x1;
	s3 =	sadd.s32 s4, s19  }
0x9c: {  	s7 =	simm.s32 $0x0;
	s20 =	sshll.u32 s5, $0x1;
	s5 =	sadd.s32 s21, s3  }
0x9d: {  	[timem:s7], [sflag:s22] =	dma.local [hbm:s5], s20  }
0x9e: {  	_ =	swait.ge [sflag:s22], s20  }
0x9f: {  	s4 =	ssub.s32 $0x0, s20;
	[sflag:s22] =	ssyncset.done $0x0  }
0xa0: {  	[sflag:s22] =	ssyncadd.s32 s4;
	_ =	sdelay $0x1  }
0xa1: {  	s23 =	simm.s32 $0x1B8B  }
0xa2: {  	_ =	swait.ge [sflag:s23], $0x1  }
0xa3: {  	[sflag:s23] =	ssyncset.done $0x0  }
0xa4: {  	s25 =	simm.s32 $0x1B8E;
	s24 =	sld [smem:$0x3FFE];
	[sflag:s23] =	ssyncadd.s32 $0xFFFFFFFF  }
0xa5: {  	s26 =	simm.s32 $execute0_lowered;
	[smem:$0x3FD2] =	sst s25  }
0xa6: {  	s5 =	sshll.u32 s26, $0x1;
	_ =	strace $0x80000046;
	[dreg:$0x1] =	wrdreg $0xFFFFFFFF  }
0xa7: {  	s28 =	simm.s32 $_size_execute0_lowered;
	s3 =	sadd.s32 s3, s5;
	[dreg:$0x0] =	wrdreg $0x0  }
0xa8: {  	s5 =	sshll.u32 s28, $0x1;
	[dreg:$0x2] =	wrdreg s3  }
0xa9: {  	[dreg:$0x3] =	wrdreg s5  }
0xaa: {  	[dreg:$0x4] =	wrdreg $0xC0  }
0xab: {  	_ =	task [dreg:s7], $0x5FFFF  }
0xac: {  	[dreg:$0x1] =	wrdreg $0xFFFFFFFF  }
0xad: {  	[dreg:$0x0] =	wrdreg $0x60  }
0xae: {  	[dreg:$0x2] =	wrdreg s2  }
0xaf: {  	[dreg:$0x3] =	wrdreg s24  }
0xb0: {  	[dreg:$0x4] =	wrdreg $0x9  }
0xb1: {  	_ =	task.clear_ibuf [dreg:s7], $0x5FFFF;
	_ =	strace $0x90000046  }
0xb2: {  	s29 =	simm.s32 $0x9;
	_ =	strace $0x80000048  }
0xb3: {  	_ =	swait.ge [sflag:s29], $0x1  }
0xb4: {  	[sflag:s29] =	ssyncadd.s32 $0xFFFFFFFF  }
0xb5: {  	_ =	strace $0x90000048  }
0xb6: {  	_ =	sfence  }
0xb7: {  	s30 =	sld [smem:$0x0];
	_ =	sdelay $0x2  }
0xb8: {  	s31 =	sshll.u32 s1, $0xD;
	s1 =	sshrl.u32 s1, $0x2  }
0xb9: {  	s3 =	sand.u32 $0x4000, s31;
	s1 =	sadd.s32 s1, s30  }
0xba: {  	s0 =	sor.u32 s3, s0;
	s1 =	sshll.u32 s1, $0x11  }
0xbb: {  	s0 =	sor.u32 s1, s0  }
0xbc: {  	s0 =	sadd.s32 $0x8F2B, s0  }
0xbd: {  	[sflag:s0] =	ssyncadd.remote.s32 $0x1  }
0xbe: {  	_ =	sfence.sel $0xFFFF  }
0xbf: {  	[dreg:$0x0] =	wrdreg $0xFFFFFFFF;
	(pc) =	sbr.abs _section_cstart, $3  }
0xc0: {  	[dreg:$0x1] =	wrdreg $0xFFFFFFFF  }
0xc1: {  	_ =	task.clear_ibuf [dreg:s7], $0x2FFFF;
	_ =	strace $0x9FFFFFFF  }
0xc2: {  	(tm) =	ssettm $0x7FFFFFFF  }
0xc3: {  	_ =	shalt  }
tec
execute0_lowered:
.L_overlay_start_1:
0x0: {  	(tag) =	ssettag $0x1  }
0x1: {  	s0 =	srdreg.scid;
	s4 =	rddreg [dreg:$0x0]  }
0x2: {  	s5 =	rddreg [dreg:$0x1];
	s2 =	simm.s32 $0x0;
	s3 =	sand.u32 $0x1, s0  }
0x3: {  	s10 =	simm.s32 $0x400;
	s0 =	stileid.u32;
	s1 =	sshll.u32 s3, $0x4  }
0x4: {  	s11 =	simm.s32 $0x2;
	s12 =	simm.s32 $0x0;
	s9 =	sor.u32 s0, s1  }
0x5: {  	[smem:$0x7FF] =	sst s2;
	s7 =	sshll.u32 s0, $0x7;
	s1 =	sshrl.u32 s9, $0x3  }
0x6: {  	s3 =	ssub.s32 $0x2, s3;
	s8 =	sshll.u32 s0, $0x5;
	s6 =	smul.u32 $0x14000, s1  }
0x7: {  	s7 =	sand.u32 $0x380, s7;
	s31 =	sshrl.u32 s3, $0x1;
	s8 =	sadd.s32 s8, s4  }
0x8: {  	s30 =	smul.u32 $0x9C0, s9;
	p0 =	sgt.u32 s9, $0x3;
	s6 =	sor.u32 s7, s6  }
0x9: {  	s9 =	simm.s32 $0x80;
	s1 =	rddreg [dreg:$0x2];
	s6 =	sshrl.u32 s6, $0x3  }
0xa: {  	_ =	strace $0x80000047;
	s7 =	simm.s32 $0x1;
	s5 =	sadd.s32 s6, s5  }
0xb: {  	s6 =	ssub.s32 s3, s31;
	s3 =	sadd.s32 s4, s30;
	s4 =	sadd.s32 $0x13800, s8  }
0xc: {  	v0 =	vimm.f32 $0.0e+00;
	v1 =	vimm.f32 $1.000000000e+00;
	s8 =	simm.s32 $0x4F00;
	s5 =	sadd.s32 $0x2400, s5;
	s6 =	smax.u32 s6, $0x1  }
.LBB2_1:
0xd: {  	[tilespmem:s2], [sflag:$0x1] =	stream.linear.gather [hbm4b:s3+s2], $0x4E00, $0x38;
	[tilespmem:$0x7700] =	vst v63  }
0xe: {  	s13 =	simm.s32 $0x4F40  }
0xf: {  	[tilespmem:s13+$0xFFFFFFC0] =	vst v0  }
0x10: {  	[tilespmem:s13+$0x30] =	vst v0  }
0x11: {  	[tilespmem:s13+$0x20] =	vst v0  }
0x12: {  	[tilespmem:s13+$0x10] =	vst v0  }
0x13: {  	[tilespmem:s13+$0x0] =	vst v0  }
0x14: {  	[tilespmem:s13+$0xFFFFFFF0] =	vst v0  }
0x15: {  	s14 =	simm.s32 $0x0;
	[tilespmem:s13+$0xFFFFFFE0] =	vst v0  }
.LBB2_2:
0x16: {  	s14 =	sadd.s32 $0x80, s14;
	[tilespmem:s13+$0xFFFFFFD0] =	vst v0;
	s13 =	sadd.s32 $0x80, s13  }
0x17: {  	[tilespmem:s13+$0xFFFFFFC0] =	vst v0;
	p1 =	slt.u32 s14, $0x2780  }
0x18: {  	[tilespmem:s13+$0x30] =	vst v0  }
.Ltmp0:
0x19: {  	[tilespmem:s13+$0x20] =	vst v0;
	(pc) =	sbr.rel @p1 .LBB2_2-.Ltmp0, $4  }
0x1a: {  	[tilespmem:s13+$0x10] =	vst v0  }
0x1b: {  	[tilespmem:s13+$0x0] =	vst v0  }
0x1c: {  	[tilespmem:s13+$0xFFFFFFF0] =	vst v0  }
0x1d: {  	[tilespmem:s13+$0xFFFFFFE0] =	vst v0  }
0x1e: {  	[tilespmem:s13+$0xFFFFFFD0] =	vst v0  }
0x1f: {  	_ =	swait.ge [sflag:s7], $0x4E00  }
0x20: {  	[sflag:s7] =	ssyncset.done $0x0  }
0x21: {  	s13 =	simm.s32 $0xF0;
	[sflag:s7] =	ssyncadd.s32 $0xFFFFB200  }
0x22: {  	v3 =	vld [tilespmem:s13+$0xFFFFFF90]  }
0x23: {  	v4 =	vld [tilespmem:s13+$0x0]  }
0x24: {  	v5 =	vld [tilespmem:s13+$0xFFFFFFF0]  }
0x25: {  	v6 =	vld [tilespmem:s13+$0xFFFFFFE0]  }
0x26: {  	v7 =	vld [tilespmem:s13+$0xFFFFFFD0]  }
0x27: {  	v8 =	vld [tilespmem:s13+$0xFFFFFFC0]  }
0x28: {  	v9 =	vld [tilespmem:s13+$0xFFFFFFB0]  }
0x29: {  	v2 =	vld [tilespmem:s13+$0xFFFFFFA0]  }
0x2a: {  	[tilespmem:v3+s8+$0x0] =	vst.idx.add.f32.msk $0xffff, v1  }
0x2b: {  	[tilespmem:v4+s8+$0x0] =	vst.idx.add.f32.msk $0xffff, v1  }
0x2c: {  	[tilespmem:v5+s8+$0x0] =	vst.idx.add.f32.msk $0xffff, v1  }
0x2d: {  	[tilespmem:v6+s8+$0x0] =	vst.idx.add.f32.msk $0xffff, v1  }
0x2e: {  	[tilespmem:v7+s8+$0x0] =	vst.idx.add.f32.msk $0xffff, v1  }
0x2f: {  	[tilespmem:v8+s8+$0x0] =	vst.idx.add.f32.msk $0xffff, v1  }
0x30: {  	s14 =	simm.s32 $0x0;
	[tilespmem:v9+s8+$0x0] =	vst.idx.add.f32.msk $0xffff, v1  }
.LBB2_4:
0x31: {  	s14 =	sadd.s32 $0x80, s14;
	[tilespmem:v2+s8+$0x0] =	vst.idx.add.f32.msk $0xffff, v1;
	s13 =	sadd.s32 $0x100, s13  }
0x32: {  	v3 =	vld [tilespmem:s13+$0xFFFFFF90];
	p1 =	slt.u32 s14, $0x2680  }
0x33: {  	v4 =	vld [tilespmem:s13+$0x0]  }
0x34: {  	v5 =	vld [tilespmem:s13+$0xFFFFFFF0]  }
0x35: {  	v6 =	vld [tilespmem:s13+$0xFFFFFFE0]  }
0x36: {  	v7 =	vld [tilespmem:s13+$0xFFFFFFD0]  }
0x37: {  	v8 =	vld [tilespmem:s13+$0xFFFFFFC0]  }
0x38: {  	v9 =	vld [tilespmem:s13+$0xFFFFFFB0]  }
0x39: {  	v2 =	vld [tilespmem:s13+$0xFFFFFFA0]  }
0x3a: {  	[tilespmem:v3+s8+$0x0] =	vst.idx.add.f32.msk $0xffff, v1  }
0x3b: {  	[tilespmem:v4+s8+$0x0] =	vst.idx.add.f32.msk $0xffff, v1  }
.Ltmp1:
0x3c: {  	[tilespmem:v5+s8+$0x0] =	vst.idx.add.f32.msk $0xffff, v1;
	(pc) =	sbr.rel @p1 .LBB2_4-.Ltmp1, $4  }
0x3d: {  	[tilespmem:v6+s8+$0x0] =	vst.idx.add.f32.msk $0xffff, v1  }
0x3e: {  	[tilespmem:v7+s8+$0x0] =	vst.idx.add.f32.msk $0xffff, v1  }
0x3f: {  	[tilespmem:v8+s8+$0x0] =	vst.idx.add.f32.msk $0xffff, v1  }
0x40: {  	[tilespmem:v9+s8+$0x0] =	vst.idx.add.f32.msk $0xffff, v1  }
0x41: {  	_ =	sdelay $0x3  }
0x42: {  	[tilespmem:v2+s8+$0x0] =	vst.idx.add.f32.msk $0xffff, v1;
	s13 =	simm.s32 @!p0 $0x0;
	s14 =	simm.s32 @!p0 $0x4E00  }
0x43: {  	[tilespmem:s14], [sflag:$0x2] =	stream.linear.gather @!p0 [hbm4b:s4+s13], $0x100, $0x38;
	[tilespmem:$0x7700] =	vst v63  }
0x44: {  	s13 =	simm.s32 @!p0 $0x2  }
0x45: {  	_ =	swait.ge @!p0 [sflag:s13], $0x100  }
0x46: {  	[sflag:s13] =	ssyncset.done @!p0 $0x0  }
0x47: {  	[sflag:s13] =	ssyncadd.s32 @!p0 $0xFFFFFF00  }
0x48: {  	v2 =	vld @!p0 [tilespmem:$0x4E80];
	_ =	sdelay $0x6  }
0x49: {  	v3 =	vimm.f32 @!p0 $1.000000000e+00;
	s13 =	simm.s32 @!p0 $0x4F00  }
0x4a: {  	[tilespmem:v2+s13+$0x0] =	vst.idx.add.f32.msk @!p0 $0xffff, v3  }
0x4b: {  	v2 =	vld @!p0 [tilespmem:$0x4E90];
	_ =	sdelay $0x7  }
0x4c: {  	[tilespmem:v2+s13+$0x0] =	vst.idx.add.f32.msk @!p0 $0xffff, v3  }
0x4d: {  	v2 =	vld @!p0 [tilespmem:$0x4EA0];
	_ =	sdelay $0x7  }
0x4e: {  	[tilespmem:v2+s13+$0x0] =	vst.idx.add.f32.msk @!p0 $0xffff, v3  }
0x4f: {  	v2 =	vld @!p0 [tilespmem:$0x4EB0];
	_ =	sdelay $0x7  }
0x50: {  	[tilespmem:v2+s13+$0x0] =	vst.idx.add.f32.msk @!p0 $0xffff, v3  }
0x51: {  	v2 =	vld @!p0 [tilespmem:$0x4EC0];
	_ =	sdelay $0x7  }
0x52: {  	[tilespmem:v2+s13+$0x0] =	vst.idx.add.f32.msk @!p0 $0xffff, v3  }
0x53: {  	v2 =	vld @!p0 [tilespmem:$0x4ED0];
	_ =	sdelay $0x7  }
0x54: {  	[tilespmem:v2+s13+$0x0] =	vst.idx.add.f32.msk @!p0 $0xffff, v3  }
0x55: {  	v2 =	vld @!p0 [tilespmem:$0x4EE0];
	_ =	sdelay $0x7  }
0x56: {  	[tilespmem:v2+s13+$0x0] =	vst.idx.add.f32.msk @!p0 $0xffff, v3  }
0x57: {  	v2 =	vld @!p0 [tilespmem:$0x4EF0];
	_ =	sdelay $0x5  }
0x58: {  	s12 =	sadd.s32 $0x1, s12  }
0x59: {  	p1 =	sne.s32 s12, s6  }
.Ltmp2:
0x5a: {  	[tilespmem:v2+s13+$0x0] =	vst.idx.add.f32.msk @!p0 $0xffff, v3;
	(pc) =	sbr.rel @p1 .LBB2_1-.Ltmp2, $4  }
0x5b: {  	[hbm4b:s5+s9] =	stream.strided.scatter [tilespmem:s8], [sflag:$0x2], $0x2800, s10, s9, $0x38;
	[tilespmem:$0x7700] =	vst v63  }
0x5c: {  	_ =	swait.ge [sflag:s11], $0x2800  }
0x5d: {  	[sflag:s11] =	ssyncset.done $0x0  }
0x5e: {  	[sflag:s11] =	ssyncadd.s32 $0xFFFFD800  }
0x5f: {  	_ =	sfence.sel $0x180000  }
0x60: {  	[bflag:$0x0] =	sbarrier.arrive $0xFFFF  }
0x61: {  	p0 =	sne.s32 s0, $0x0;
	_ =	strace $0x90000047  }
0x62: {  	s0 =	sadd.s32 @!p0 $0x100000, s1;
	[bflag:$0x2] =	sbarrier.arrive $0xFFFF  }
0x63: {  	[sflag:s0] =	ssyncadd.tile.s32 @!p0 $0x1;
	_ =	shalt  }
.Lfunc_end2:
_tile_overlayer_lowered:
.L_overlay_start_2:
0x64: {  	(tag) =	ssettag $0x2  }
0x65: {  	s0 =	rddreg [dreg:$0x0];
	s2 =	stileid.u32  }
0x66: {  	s1 =	rddreg [dreg:$0x1];
	p0 =	sne.s32 s2, $0x0  }
0x67: {  	s3 =	rddreg [dreg:$0x2];
	[bflag:$0x3] =	sbarrier.arrive $0xFFFF;
	s2 =	simm.s32 @!p0 $0x1C02  }
0x68: {  	[timem:s3], [sflag:s2] =	dma.local @!p0 [hbm:s0], s1  }
0x69: {  	s0 =	simm.s32 @!p0 $0x2  }
0x6a: {  	_ =	swait.ge @!p0 [sflag:s0], s1  }
0x6b: {  	s1 =	ssub.s32 @!p0 $0x0, s1;
	[sflag:s0] =	ssyncset.done @!p0 $0x0  }
0x6c: {  	[sflag:s0] =	ssyncadd.s32 @!p0 s1  }
0x6d: {  	[bflag:$0x3] =	sbarrier.arrive $0xFFFF  }
0x6e: {  	_ =	shalt  }

</sc_bundles>
